<compile_context>
chip_gen: v7x
topology: tpu7x:2x2x1
jax: 0.10.2.dev20260603
libtpu: 0.0.44.dev20260713+nightly
codegen_flags: <defaults>
</compile_context>

<pallas_src>
import functools

import jax
import jax.numpy as jnp
from jax import lax
from jax.experimental import pallas as pl
from jax.experimental.pallas import tpu as pltpu
from jax.experimental.pallas import tpu_sc as plsc

_NENTITY = 1000000
_EMBED_DIM = 16
_N_VEC = 4
_BATCH = 16384
_ROW = _EMBED_DIM * _N_VEC

_NW = 32
_RPW = _BATCH // _NW
_GROUPS = _RPW * _N_VEC // 16


def _rsqrt16(x):
    i = plsc.bitcast(x, jnp.int32)
    i = 0x5F3759DF - (i >> 1)
    y = plsc.bitcast(i, jnp.float32)
    xh = x * 0.5
    for _ in range(3):
        y = y * (1.5 - xh * y * y)
    return y


@functools.partial(
    pl.kernel,
    mesh=plsc.VectorSubcoreMesh(core_axis_name="c", subcore_axis_name="s"),
    out_type=jax.ShapeDtypeStruct((_BATCH, _ROW), jnp.float32),
    scratch_types=[
        pltpu.VMEM((_RPW,), jnp.int32),
        pltpu.VMEM((_RPW, _ROW), jnp.float32),
        pltpu.SemaphoreType.DMA,
    ],
    compiler_params=pltpu.CompilerParams(needs_layout_passes=False),
)
def _encode(idx_hbm, table_hbm, out_hbm, idx_v, rows_v, sem):
    wid = lax.axis_index("s") * 2 + lax.axis_index("c")
    base = wid * _RPW

    pltpu.sync_copy(idx_hbm.at[pl.ds(base, _RPW)], idx_v)

    def fire_block(t, carry):
        iv = idx_v[pl.ds(t * 16, 16)]
        r0 = t * 16
        for j in range(16):
            s = iv[j]
            pltpu.async_copy(
                table_hbm.at[pl.ds(s, 1)], rows_v.at[pl.ds(r0 + j, 1)], sem
            )
        return carry

    lax.fori_loop(0, _RPW // 16, fire_block, 0)

    pltpu.make_async_copy(
        table_hbm.at[pl.ds(0, _RPW)], rows_v, sem
    ).wait()

    lane = lax.iota(jnp.int32, 16)
    rowoff = lane >> 2
    coloff = (lane & 3) * 16

    def group_body(grp, carry):
        row_idx = rowoff + grp * 4
        vs = []
        acc = None
        for p in range(16):
            v = plsc.load_gather(rows_v, [row_idx, coloff + p])
            vs.append(v)
            sq = v * v
            acc = sq if acc is None else acc + sq
        scale = _rsqrt16(acc)
        for p in range(16):
            plsc.store_scatter(rows_v, [row_idx, coloff + p], vs[p] * scale)
        return carry

    lax.fori_loop(0, _GROUPS, group_body, 0)

    pltpu.sync_copy(rows_v, out_hbm.at[pl.ds(base, _RPW)])


def kernel(indices, table):
    idx = indices.astype(jnp.int32)
    out = _encode(idx, table)
    return out.reshape(_BATCH, _N_VEC, _EMBED_DIM)

# --- scband reference (transcript-rebuilt; emitter-appended) ---
"""Pipeline reference for scband-cloud-encoder-7258494730905 (READ-ONLY COPY).

The authoritative reference and input builder live on the scoring server;
editing this copy changes nothing except your own understanding.
"""

import jax, jax.numpy as jnp
import numpy as np

NENTITY = 1000000
EMBED_DIM = 16
N_VEC = 4
BATCH = 16384

def setup_inputs(seed: int = 0) -> dict:
    key = jax.random.key(seed)
    k1, k2 = jax.random.split(key)
    indices = jax.random.randint(k1, (BATCH,), 0, NENTITY, dtype=jnp.int64)
    table = jax.random.normal(k2, (NENTITY, EMBED_DIM * N_VEC), dtype=jnp.float32)
    return {"indices": indices, "table": table}

def reference(indices, table):
    embeds = jnp.take(table, indices, axis=0)
    embeds = embeds.reshape(-1, N_VEC, EMBED_DIM)
    norm = jnp.linalg.norm(embeds, ord=2, axis=2, keepdims=True)
    return embeds / norm

if __name__ == "__main__":
    import jax
    _d = setup_inputs()
    print(jax.jit(kernel)(*tuple(_d.values())))

</pallas_src>

<mosaic_0001>
#map = affine_map<(d0, d1) -> (0)>
#map1 = affine_map<(d0, d1) -> (0, 0)>
module attributes {stable_mosaic.version = 14 : i64} {
  func.func @_encode(%arg0: i32, %arg1: i32, %arg2: memref<16384xi32, #tpu.memory_space<hbm>>, %arg3: memref<1000000x64xf32, #tpu.memory_space<hbm>>, %arg4: memref<16384x64xf32, #tpu.memory_space<hbm>>, %arg5: memref<512xi32, #tpu.memory_space<vmem>>, %arg6: memref<512x64xf32, #tpu.memory_space<vmem>>, %arg7: memref<!tpu.dma_semaphore, #tpu.memory_space<semaphore_mem>>) attributes {dimension_semantics = [#tpu.dimension_semantics<core_parallel>, #tpu.dimension_semantics<subcore_parallel>], iteration_bounds = array<i64: 2, 16>, scalar_prefetch = 0 : i64, scratch_operands = 3 : i64, tpu.core_type = #tpu.core_type<sc_vector_subcore>, window_params = [{transform_indices = #map}, {transform_indices = #map1}, {transform_indices = #map1}]} {
    %mul3A = arith.constant 2 : i32
    %mul3A_0 = arith.muli %arg1, %mul3A : i32
    %add3A = arith.addi %mul3A_0, %arg0 : i32
    %mul3A_1 = arith.constant 512 : i32
    %mul3A_2 = arith.muli %add3A, %mul3A_1 : i32
    "tpu.region"() ({
      %run_scoped3A = tpu.sem_alloc : memref<!tpu.dma_semaphore, #tpu.memory_space<semaphore_mem>>
      %dma_start3A = tpu.memref_slice %arg2[%mul3A_2] : memref<16384xi32, #tpu.memory_space<hbm>> -> memref<512xi32, #tpu.memory_space<hbm>>
      %dma_start3A_26 = tpu.memref_slice %arg2[%mul3A_2] : memref<16384xi32, #tpu.memory_space<hbm>> -> memref<512xi32, #tpu.memory_space<hbm>>
      tpu.enqueue_dma source(%dma_start3A_26 : memref<512xi32, #tpu.memory_space<hbm>>) target(%arg5 : memref<512xi32, #tpu.memory_space<vmem>>) target_semaphore(%run_scoped3A : memref<!tpu.dma_semaphore, #tpu.memory_space<semaphore_mem>>)
      %dma_wait3A_27 = tpu.memref_slice %arg2[%mul3A_2] : memref<16384xi32, #tpu.memory_space<hbm>> -> memref<512xi32, #tpu.memory_space<hbm>>
      %dma_wait3A_28 = tpu.memref_slice %arg2[%mul3A_2] : memref<16384xi32, #tpu.memory_space<hbm>> -> memref<512xi32, #tpu.memory_space<hbm>>
      tpu.wait_dma2 semaphore(%run_scoped3A : memref<!tpu.dma_semaphore, #tpu.memory_space<semaphore_mem>>) src(%dma_wait3A_28 : memref<512xi32, #tpu.memory_space<hbm>>) dst(%arg5 : memref<512xi32, #tpu.memory_space<vmem>>)
      tpu.yield
    }) : () -> ()
    %scan3A = arith.constant 0 : i32
    %scan3A_3 = arith.constant 0 : i32
    %scan3A_4 = arith.constant 32 : i32
    %scan3A_5 = arith.addi %scan3A_3, %scan3A_4 : i32
    %scan3A_6 = arith.constant 1 : i32
    scf.for %scan3A_26 = %scan3A_3 to %scan3A_5 step %scan3A_6  : i32 {
      %mul3A_27 = arith.constant 16 : i32
      %mul3A_28 = arith.muli %scan3A_26, %mul3A_27 : i32
      %get3A = arith.index_cast %mul3A_28 : i32 to index
      %get3A_29 = tpu.vector_load %arg5[%get3A] {strides = array<i32>} : memref<512xi32, #tpu.memory_space<vmem>>, vector<16xi32>,
      %mul3A_30 = arith.constant 16 : i32
      %mul3A_31 = arith.muli %scan3A_26, %mul3A_30 : i32
      %slice3A = vector.extract_strided_slice %get3A_29 {offsets = [0], sizes = [1], strides = [1]} : vector<16xi32> to vector<1xi32>
      %squeeze3A = vector.extract %slice3A[0] : i32 from vector<1xi32>
      %add3A_32 = arith.constant 0 : i32
      %add3A_33 = arith.addi %mul3A_31, %add3A_32 : i32
      %dma_start3A = arith.constant 0 : i32
      %dma_start3A_34 = tpu.memref_slice %arg6[%add3A_33, %dma_start3A] : memref<512x64xf32, #tpu.memory_space<vmem>> -> memref<1x64xf32, #tpu.memory_space<vmem>>
      %dma_start3A_35 = arith.constant 0 : i32
      %dma_start3A_36 = tpu.memref_slice %arg3[%squeeze3A, %dma_start3A_35] : memref<1000000x64xf32, #tpu.memory_space<hbm>> -> memref<1x64xf32, #tpu.memory_space<hbm>>
      %dma_start3A_37 = arith.constant 0 : i32
      %dma_start3A_38 = tpu.memref_slice %arg6[%add3A_33, %dma_start3A_37] : memref<512x64xf32, #tpu.memory_space<vmem>> -> memref<1x64xf32, #tpu.memory_space<vmem>>
      %dma_start3A_39 = arith.constant 0 : i32
      %dma_start3A_40 = tpu.memref_slice %arg3[%squeeze3A, %dma_start3A_39] : memref<1000000x64xf32, #tpu.memory_space<hbm>> -> memref<1x64xf32, #tpu.memory_space<hbm>>
      tpu.enqueue_dma source(%dma_start3A_40 : memref<1x64xf32, #tpu.memory_space<hbm>>) target(%dma_start3A_38 : memref<1x64xf32, #tpu.memory_space<vmem>>) target_semaphore(%arg7 : memref<!tpu.dma_semaphore, #tpu.memory_space<semaphore_mem>>)
      %slice3A_41 = vector.extract_strided_slice %get3A_29 {offsets = [1], sizes = [1], strides = [1]} : vector<16xi32> to vector<1xi32>
      %squeeze3A_42 = vector.extract %slice3A_41[0] : i32 from vector<1xi32>
      %add3A_43 = arith.constant 1 : i32
      %add3A_44 = arith.addi %mul3A_31, %add3A_43 : i32
      %dma_start3A_45 = arith.constant 0 : i32
      %dma_start3A_46 = tpu.memref_slice %arg6[%add3A_44, %dma_start3A_45] : memref<512x64xf32, #tpu.memory_space<vmem>> -> memref<1x64xf32, #tpu.memory_space<vmem>>
      %dma_start3A_47 = arith.constant 0 : i32
      %dma_start3A_48 = tpu.memref_slice %arg3[%squeeze3A_42, %dma_start3A_47] : memref<1000000x64xf32, #tpu.memory_space<hbm>> -> memref<1x64xf32, #tpu.memory_space<hbm>>
      %dma_start3A_49 = arith.constant 0 : i32
      %dma_start3A_50 = tpu.memref_slice %arg6[%add3A_44, %dma_start3A_49] : memref<512x64xf32, #tpu.memory_space<vmem>> -> memref<1x64xf32, #tpu.memory_space<vmem>>
      %dma_start3A_51 = arith.constant 0 : i32
      %dma_start3A_52 = tpu.memref_slice %arg3[%squeeze3A_42, %dma_start3A_51] : memref<1000000x64xf32, #tpu.memory_space<hbm>> -> memref<1x64xf32, #tpu.memory_space<hbm>>
      tpu.enqueue_dma source(%dma_start3A_52 : memref<1x64xf32, #tpu.memory_space<hbm>>) target(%dma_start3A_50 : memref<1x64xf32, #tpu.memory_space<vmem>>) target_semaphore(%arg7 : memref<!tpu.dma_semaphore, #tpu.memory_space<semaphore_mem>>)
      %slice3A_53 = vector.extract_strided_slice %get3A_29 {offsets = [2], sizes = [1], strides = [1]} : vector<16xi32> to vector<1xi32>
      %squeeze3A_54 = vector.extract %slice3A_53[0] : i32 from vector<1xi32>
      %add3A_55 = arith.constant 2 : i32
      %add3A_56 = arith.addi %mul3A_31, %add3A_55 : i32
      %dma_start3A_57 = arith.constant 0 : i32
      %dma_start3A_58 = tpu.memref_slice %arg6[%add3A_56, %dma_start3A_57] : memref<512x64xf32, #tpu.memory_space<vmem>> -> memref<1x64xf32, #tpu.memory_space<vmem>>
      %dma_start3A_59 = arith.constant 0 : i32
      %dma_start3A_60 = tpu.memref_slice %arg3[%squeeze3A_54, %dma_start3A_59] : memref<1000000x64xf32, #tpu.memory_space<hbm>> -> memref<1x64xf32, #tpu.memory_space<hbm>>
      %dma_start3A_61 = arith.constant 0 : i32
      %dma_start3A_62 = tpu.memref_slice %arg6[%add3A_56, %dma_start3A_61] : memref<512x64xf32, #tpu.memory_space<vmem>> -> memref<1x64xf32, #tpu.memory_space<vmem>>
      %dma_start3A_63 = arith.constant 0 : i32
      %dma_start3A_64 = tpu.memref_slice %arg3[%squeeze3A_54, %dma_start3A_63] : memref<1000000x64xf32, #tpu.memory_space<hbm>> -> memref<1x64xf32, #tpu.memory_space<hbm>>
      tpu.enqueue_dma source(%dma_start3A_64 : memref<1x64xf32, #tpu.memory_space<hbm>>) target(%dma_start3A_62 : memref<1x64xf32, #tpu.memory_space<vmem>>) target_semaphore(%arg7 : memref<!tpu.dma_semaphore, #tpu.memory_space<semaphore_mem>>)
      %slice3A_65 = vector.extract_strided_slice %get3A_29 {offsets = [3], sizes = [1], strides = [1]} : vector<16xi32> to vector<1xi32>
      %squeeze3A_66 = vector.extract %slice3A_65[0] : i32 from vector<1xi32>
      %add3A_67 = arith.constant 3 : i32
      %add3A_68 = arith.addi %mul3A_31, %add3A_67 : i32
      %dma_start3A_69 = arith.constant 0 : i32
      %dma_start3A_70 = tpu.memref_slice %arg6[%add3A_68, %dma_start3A_69] : memref<512x64xf32, #tpu.memory_space<vmem>> -> memref<1x64xf32, #tpu.memory_space<vmem>>
      %dma_start3A_71 = arith.constant 0 : i32
      %dma_start3A_72 = tpu.memref_slice %arg3[%squeeze3A_66, %dma_start3A_71] : memref<1000000x64xf32, #tpu.memory_space<hbm>> -> memref<1x64xf32, #tpu.memory_space<hbm>>
      %dma_start3A_73 = arith.constant 0 : i32
      %dma_start3A_74 = tpu.memref_slice %arg6[%add3A_68, %dma_start3A_73] : memref<512x64xf32, #tpu.memory_space<vmem>> -> memref<1x64xf32, #tpu.memory_space<vmem>>
      %dma_start3A_75 = arith.constant 0 : i32
      %dma_start3A_76 = tpu.memref_slice %arg3[%squeeze3A_66, %dma_start3A_75] : memref<1000000x64xf32, #tpu.memory_space<hbm>> -> memref<1x64xf32, #tpu.memory_space<hbm>>
      tpu.enqueue_dma source(%dma_start3A_76 : memref<1x64xf32, #tpu.memory_space<hbm>>) target(%dma_start3A_74 : memref<1x64xf32, #tpu.memory_space<vmem>>) target_semaphore(%arg7 : memref<!tpu.dma_semaphore, #tpu.memory_space<semaphore_mem>>)
      %slice3A_77 = vector.extract_strided_slice %get3A_29 {offsets = [4], sizes = [1], strides = [1]} : vector<16xi32> to vector<1xi32>
      %squeeze3A_78 = vector.extract %slice3A_77[0] : i32 from vector<1xi32>
      %add3A_79 = arith.constant 4 : i32
      %add3A_80 = arith.addi %mul3A_31, %add3A_79 : i32
      %dma_start3A_81 = arith.constant 0 : i32
      %dma_start3A_82 = tpu.memref_slice %arg6[%add3A_80, %dma_start3A_81] : memref<512x64xf32, #tpu.memory_space<vmem>> -> memref<1x64xf32, #tpu.memory_space<vmem>>
      %dma_start3A_83 = arith.constant 0 : i32
      %dma_start3A_84 = tpu.memref_slice %arg3[%squeeze3A_78, %dma_start3A_83] : memref<1000000x64xf32, #tpu.memory_space<hbm>> -> memref<1x64xf32, #tpu.memory_space<hbm>>
      %dma_start3A_85 = arith.constant 0 : i32
      %dma_start3A_86 = tpu.memref_slice %arg6[%add3A_80, %dma_start3A_85] : memref<512x64xf32, #tpu.memory_space<vmem>> -> memref<1x64xf32, #tpu.memory_space<vmem>>
      %dma_start3A_87 = arith.constant 0 : i32
      %dma_start3A_88 = tpu.memref_slice %arg3[%squeeze3A_78, %dma_start3A_87] : memref<1000000x64xf32, #tpu.memory_space<hbm>> -> memref<1x64xf32, #tpu.memory_space<hbm>>
      tpu.enqueue_dma source(%dma_start3A_88 : memref<1x64xf32, #tpu.memory_space<hbm>>) target(%dma_start3A_86 : memref<1x64xf32, #tpu.memory_space<vmem>>) target_semaphore(%arg7 : memref<!tpu.dma_semaphore, #tpu.memory_space<semaphore_mem>>)
      %slice3A_89 = vector.extract_strided_slice %get3A_29 {offsets = [5], sizes = [1], strides = [1]} : vector<16xi32> to vector<1xi32>
      %squeeze3A_90 = vector.extract %slice3A_89[0] : i32 from vector<1xi32>
      %add3A_91 = arith.constant 5 : i32
      %add3A_92 = arith.addi %mul3A_31, %add3A_91 : i32
      %dma_start3A_93 = arith.constant 0 : i32
      %dma_start3A_94 = tpu.memref_slice %arg6[%add3A_92, %dma_start3A_93] : memref<512x64xf32, #tpu.memory_space<vmem>> -> memref<1x64xf32, #tpu.memory_space<vmem>>
      %dma_start3A_95 = arith.constant 0 : i32
      %dma_start3A_96 = tpu.memref_slice %arg3[%squeeze3A_90, %dma_start3A_95] : memref<1000000x64xf32, #tpu.memory_space<hbm>> -> memref<1x64xf32, #tpu.memory_space<hbm>>
      %dma_start3A_97 = arith.constant 0 : i32
      %dma_start3A_98 = tpu.memref_slice %arg6[%add3A_92, %dma_start3A_97] : memref<512x64xf32, #tpu.memory_space<vmem>> -> memref<1x64xf32, #tpu.memory_space<vmem>>
      %dma_start3A_99 = arith.constant 0 : i32
      %dma_start3A_100 = tpu.memref_slice %arg3[%squeeze3A_90, %dma_start3A_99] : memref<1000000x64xf32, #tpu.memory_space<hbm>> -> memref<1x64xf32, #tpu.memory_space<hbm>>
      tpu.enqueue_dma source(%dma_start3A_100 : memref<1x64xf32, #tpu.memory_space<hbm>>) target(%dma_start3A_98 : memref<1x64xf32, #tpu.memory_space<vmem>>) target_semaphore(%arg7 : memref<!tpu.dma_semaphore, #tpu.memory_space<semaphore_mem>>)
      %slice3A_101 = vector.extract_strided_slice %get3A_29 {offsets = [6], sizes = [1], strides = [1]} : vector<16xi32> to vector<1xi32>
      %squeeze3A_102 = vector.extract %slice3A_101[0] : i32 from vector<1xi32>
      %add3A_103 = arith.constant 6 : i32
      %add3A_104 = arith.addi %mul3A_31, %add3A_103 : i32
      %dma_start3A_105 = arith.constant 0 : i32
      %dma_start3A_106 = tpu.memref_slice %arg6[%add3A_104, %dma_start3A_105] : memref<512x64xf32, #tpu.memory_space<vmem>> -> memref<1x64xf32, #tpu.memory_space<vmem>>
      %dma_start3A_107 = arith.constant 0 : i32
      %dma_start3A_108 = tpu.memref_slice %arg3[%squeeze3A_102, %dma_start3A_107] : memref<1000000x64xf32, #tpu.memory_space<hbm>> -> memref<1x64xf32, #tpu.memory_space<hbm>>
      %dma_start3A_109 = arith.constant 0 : i32
      %dma_start3A_110 = tpu.memref_slice %arg6[%add3A_104, %dma_start3A_109] : memref<512x64xf32, #tpu.memory_space<vmem>> -> memref<1x64xf32, #tpu.memory_space<vmem>>
      %dma_start3A_111 = arith.constant 0 : i32
      %dma_start3A_112 = tpu.memref_slice %arg3[%squeeze3A_102, %dma_start3A_111] : memref<1000000x64xf32, #tpu.memory_space<hbm>> -> memref<1x64xf32, #tpu.memory_space<hbm>>
      tpu.enqueue_dma source(%dma_start3A_112 : memref<1x64xf32, #tpu.memory_space<hbm>>) target(%dma_start3A_110 : memref<1x64xf32, #tpu.memory_space<vmem>>) target_semaphore(%arg7 : memref<!tpu.dma_semaphore, #tpu.memory_space<semaphore_mem>>)
      %slice3A_113 = vector.extract_strided_slice %get3A_29 {offsets = [7], sizes = [1], strides = [1]} : vector<16xi32> to vector<1xi32>
      %squeeze3A_114 = vector.extract %slice3A_113[0] : i32 from vector<1xi32>
      %add3A_115 = arith.constant 7 : i32
      %add3A_116 = arith.addi %mul3A_31, %add3A_115 : i32
      %dma_start3A_117 = arith.constant 0 : i32
      %dma_start3A_118 = tpu.memref_slice %arg6[%add3A_116, %dma_start3A_117] : memref<512x64xf32, #tpu.memory_space<vmem>> -> memref<1x64xf32, #tpu.memory_space<vmem>>
      %dma_start3A_119 = arith.constant 0 : i32
      %dma_start3A_120 = tpu.memref_slice %arg3[%squeeze3A_114, %dma_start3A_119] : memref<1000000x64xf32, #tpu.memory_space<hbm>> -> memref<1x64xf32, #tpu.memory_space<hbm>>
      %dma_start3A_121 = arith.constant 0 : i32
      %dma_start3A_122 = tpu.memref_slice %arg6[%add3A_116, %dma_start3A_121] : memref<512x64xf32, #tpu.memory_space<vmem>> -> memref<1x64xf32, #tpu.memory_space<vmem>>
      %dma_start3A_123 = arith.constant 0 : i32
      %dma_start3A_124 = tpu.memref_slice %arg3[%squeeze3A_114, %dma_start3A_123] : memref<1000000x64xf32, #tpu.memory_space<hbm>> -> memref<1x64xf32, #tpu.memory_space<hbm>>
      tpu.enqueue_dma source(%dma_start3A_124 : memref<1x64xf32, #tpu.memory_space<hbm>>) target(%dma_start3A_122 : memref<1x64xf32, #tpu.memory_space<vmem>>) target_semaphore(%arg7 : memref<!tpu.dma_semaphore, #tpu.memory_space<semaphore_mem>>)
      %slice3A_125 = vector.extract_strided_slice %get3A_29 {offsets = [8], sizes = [1], strides = [1]} : vector<16xi32> to vector<1xi32>
      %squeeze3A_126 = vector.extract %slice3A_125[0] : i32 from vector<1xi32>
      %add3A_127 = arith.constant 8 : i32
      %add3A_128 = arith.addi %mul3A_31, %add3A_127 : i32
      %dma_start3A_129 = arith.constant 0 : i32
      %dma_start3A_130 = tpu.memref_slice %arg6[%add3A_128, %dma_start3A_129] : memref<512x64xf32, #tpu.memory_space<vmem>> -> memref<1x64xf32, #tpu.memory_space<vmem>>
      %dma_start3A_131 = arith.constant 0 : i32
      %dma_start3A_132 = tpu.memref_slice %arg3[%squeeze3A_126, %dma_start3A_131] : memref<1000000x64xf32, #tpu.memory_space<hbm>> -> memref<1x64xf32, #tpu.memory_space<hbm>>
      %dma_start3A_133 = arith.constant 0 : i32
      %dma_start3A_134 = tpu.memref_slice %arg6[%add3A_128, %dma_start3A_133] : memref<512x64xf32, #tpu.memory_space<vmem>> -> memref<1x64xf32, #tpu.memory_space<vmem>>
      %dma_start3A_135 = arith.constant 0 : i32
      %dma_start3A_136 = tpu.memref_slice %arg3[%squeeze3A_126, %dma_start3A_135] : memref<1000000x64xf32, #tpu.memory_space<hbm>> -> memref<1x64xf32, #tpu.memory_space<hbm>>
      tpu.enqueue_dma source(%dma_start3A_136 : memref<1x64xf32, #tpu.memory_space<hbm>>) target(%dma_start3A_134 : memref<1x64xf32, #tpu.memory_space<vmem>>) target_semaphore(%arg7 : memref<!tpu.dma_semaphore, #tpu.memory_space<semaphore_mem>>)
      %slice3A_137 = vector.extract_strided_slice %get3A_29 {offsets = [9], sizes = [1], strides = [1]} : vector<16xi32> to vector<1xi32>
      %squeeze3A_138 = vector.extract %slice3A_137[0] : i32 from vector<1xi32>
      %add3A_139 = arith.constant 9 : i32
      %add3A_140 = arith.addi %mul3A_31, %add3A_139 : i32
      %dma_start3A_141 = arith.constant 0 : i32
      %dma_start3A_142 = tpu.memref_slice %arg6[%add3A_140, %dma_start3A_141] : memref<512x64xf32, #tpu.memory_space<vmem>> -> memref<1x64xf32, #tpu.memory_space<vmem>>
      %dma_start3A_143 = arith.constant 0 : i32
      %dma_start3A_144 = tpu.memref_slice %arg3[%squeeze3A_138, %dma_start3A_143] : memref<1000000x64xf32, #tpu.memory_space<hbm>> -> memref<1x64xf32, #tpu.memory_space<hbm>>
      %dma_start3A_145 = arith.constant 0 : i32
      %dma_start3A_146 = tpu.memref_slice %arg6[%add3A_140, %dma_start3A_145] : memref<512x64xf32, #tpu.memory_space<vmem>> -> memref<1x64xf32, #tpu.memory_space<vmem>>
      %dma_start3A_147 = arith.constant 0 : i32
      %dma_start3A_148 = tpu.memref_slice %arg3[%squeeze3A_138, %dma_start3A_147] : memref<1000000x64xf32, #tpu.memory_space<hbm>> -> memref<1x64xf32, #tpu.memory_space<hbm>>
      tpu.enqueue_dma source(%dma_start3A_148 : memref<1x64xf32, #tpu.memory_space<hbm>>) target(%dma_start3A_146 : memref<1x64xf32, #tpu.memory_space<vmem>>) target_semaphore(%arg7 : memref<!tpu.dma_semaphore, #tpu.memory_space<semaphore_mem>>)
      %slice3A_149 = vector.extract_strided_slice %get3A_29 {offsets = [10], sizes = [1], strides = [1]} : vector<16xi32> to vector<1xi32>
      %squeeze3A_150 = vector.extract %slice3A_149[0] : i32 from vector<1xi32>
      %add3A_151 = arith.constant 10 : i32
      %add3A_152 = arith.addi %mul3A_31, %add3A_151 : i32
      %dma_start3A_153 = arith.constant 0 : i32
      %dma_start3A_154 = tpu.memref_slice %arg6[%add3A_152, %dma_start3A_153] : memref<512x64xf32, #tpu.memory_space<vmem>> -> memref<1x64xf32, #tpu.memory_space<vmem>>
      %dma_start3A_155 = arith.constant 0 : i32
      %dma_start3A_156 = tpu.memref_slice %arg3[%squeeze3A_150, %dma_start3A_155] : memref<1000000x64xf32, #tpu.memory_space<hbm>> -> memref<1x64xf32, #tpu.memory_space<hbm>>
      %dma_start3A_157 = arith.constant 0 : i32
      %dma_start3A_158 = tpu.memref_slice %arg6[%add3A_152, %dma_start3A_157] : memref<512x64xf32, #tpu.memory_space<vmem>> -> memref<1x64xf32, #tpu.memory_space<vmem>>
      %dma_start3A_159 = arith.constant 0 : i32
      %dma_start3A_160 = tpu.memref_slice %arg3[%squeeze3A_150, %dma_start3A_159] : memref<1000000x64xf32, #tpu.memory_space<hbm>> -> memref<1x64xf32, #tpu.memory_space<hbm>>
      tpu.enqueue_dma source(%dma_start3A_160 : memref<1x64xf32, #tpu.memory_space<hbm>>) target(%dma_start3A_158 : memref<1x64xf32, #tpu.memory_space<vmem>>) target_semaphore(%arg7 : memref<!tpu.dma_semaphore, #tpu.memory_space<semaphore_mem>>)
      %slice3A_161 = vector.extract_strided_slice %get3A_29 {offsets = [11], sizes = [1], strides = [1]} : vector<16xi32> to vector<1xi32>
      %squeeze3A_162 = vector.extract %slice3A_161[0] : i32 from vector<1xi32>
      %add3A_163 = arith.constant 11 : i32
      %add3A_164 = arith.addi %mul3A_31, %add3A_163 : i32
      %dma_start3A_165 = arith.constant 0 : i32
      %dma_start3A_166 = tpu.memref_slice %arg6[%add3A_164, %dma_start3A_165] : memref<512x64xf32, #tpu.memory_space<vmem>> -> memref<1x64xf32, #tpu.memory_space<vmem>>
      %dma_start3A_167 = arith.constant 0 : i32
      %dma_start3A_168 = tpu.memref_slice %arg3[%squeeze3A_162, %dma_start3A_167] : memref<1000000x64xf32, #tpu.memory_space<hbm>> -> memref<1x64xf32, #tpu.memory_space<hbm>>
      %dma_start3A_169 = arith.constant 0 : i32
      %dma_start3A_170 = tpu.memref_slice %arg6[%add3A_164, %dma_start3A_169] : memref<512x64xf32, #tpu.memory_space<vmem>> -> memref<1x64xf32, #tpu.memory_space<vmem>>
      %dma_start3A_171 = arith.constant 0 : i32
      %dma_start3A_172 = tpu.memref_slice %arg3[%squeeze3A_162, %dma_start3A_171] : memref<1000000x64xf32, #tpu.memory_space<hbm>> -> memref<1x64xf32, #tpu.memory_space<hbm>>
      tpu.enqueue_dma source(%dma_start3A_172 : memref<1x64xf32, #tpu.memory_space<hbm>>) target(%dma_start3A_170 : memref<1x64xf32, #tpu.memory_space<vmem>>) target_semaphore(%arg7 : memref<!tpu.dma_semaphore, #tpu.memory_space<semaphore_mem>>)
      %slice3A_173 = vector.extract_strided_slice %get3A_29 {offsets = [12], sizes = [1], strides = [1]} : vector<16xi32> to vector<1xi32>
      %squeeze3A_174 = vector.extract %slice3A_173[0] : i32 from vector<1xi32>
      %add3A_175 = arith.constant 12 : i32
      %add3A_176 = arith.addi %mul3A_31, %add3A_175 : i32
      %dma_start3A_177 = arith.constant 0 : i32
      %dma_start3A_178 = tpu.memref_slice %arg6[%add3A_176, %dma_start3A_177] : memref<512x64xf32, #tpu.memory_space<vmem>> -> memref<1x64xf32, #tpu.memory_space<vmem>>
      %dma_start3A_179 = arith.constant 0 : i32
      %dma_start3A_180 = tpu.memref_slice %arg3[%squeeze3A_174, %dma_start3A_179] : memref<1000000x64xf32, #tpu.memory_space<hbm>> -> memref<1x64xf32, #tpu.memory_space<hbm>>
      %dma_start3A_181 = arith.constant 0 : i32
      %dma_start3A_182 = tpu.memref_slice %arg6[%add3A_176, %dma_start3A_181] : memref<512x64xf32, #tpu.memory_space<vmem>> -> memref<1x64xf32, #tpu.memory_space<vmem>>
      %dma_start3A_183 = arith.constant 0 : i32
      %dma_start3A_184 = tpu.memref_slice %arg3[%squeeze3A_174, %dma_start3A_183] : memref<1000000x64xf32, #tpu.memory_space<hbm>> -> memref<1x64xf32, #tpu.memory_space<hbm>>
      tpu.enqueue_dma source(%dma_start3A_184 : memref<1x64xf32, #tpu.memory_space<hbm>>) target(%dma_start3A_182 : memref<1x64xf32, #tpu.memory_space<vmem>>) target_semaphore(%arg7 : memref<!tpu.dma_semaphore, #tpu.memory_space<semaphore_mem>>)
      %slice3A_185 = vector.extract_strided_slice %get3A_29 {offsets = [13], sizes = [1], strides = [1]} : vector<16xi32> to vector<1xi32>
      %squeeze3A_186 = vector.extract %slice3A_185[0] : i32 from vector<1xi32>
      %add3A_187 = arith.constant 13 : i32
      %add3A_188 = arith.addi %mul3A_31, %add3A_187 : i32
      %dma_start3A_189 = arith.constant 0 : i32
      %dma_start3A_190 = tpu.memref_slice %arg6[%add3A_188, %dma_start3A_189] : memref<512x64xf32, #tpu.memory_space<vmem>> -> memref<1x64xf32, #tpu.memory_space<vmem>>
      %dma_start3A_191 = arith.constant 0 : i32
      %dma_start3A_192 = tpu.memref_slice %arg3[%squeeze3A_186, %dma_start3A_191] : memref<1000000x64xf32, #tpu.memory_space<hbm>> -> memref<1x64xf32, #tpu.memory_space<hbm>>
      %dma_start3A_193 = arith.constant 0 : i32
      %dma_start3A_194 = tpu.memref_slice %arg6[%add3A_188, %dma_start3A_193] : memref<512x64xf32, #tpu.memory_space<vmem>> -> memref<1x64xf32, #tpu.memory_space<vmem>>
      %dma_start3A_195 = arith.constant 0 : i32
      %dma_start3A_196 = tpu.memref_slice %arg3[%squeeze3A_186, %dma_start3A_195] : memref<1000000x64xf32, #tpu.memory_space<hbm>> -> memref<1x64xf32, #tpu.memory_space<hbm>>
      tpu.enqueue_dma source(%dma_start3A_196 : memref<1x64xf32, #tpu.memory_space<hbm>>) target(%dma_start3A_194 : memref<1x64xf32, #tpu.memory_space<vmem>>) target_semaphore(%arg7 : memref<!tpu.dma_semaphore, #tpu.memory_space<semaphore_mem>>)
      %slice3A_197 = vector.extract_strided_slice %get3A_29 {offsets = [14], sizes = [1], strides = [1]} : vector<16xi32> to vector<1xi32>
      %squeeze3A_198 = vector.extract %slice3A_197[0] : i32 from vector<1xi32>
      %add3A_199 = arith.constant 14 : i32
      %add3A_200 = arith.addi %mul3A_31, %add3A_199 : i32
      %dma_start3A_201 = arith.constant 0 : i32
      %dma_start3A_202 = tpu.memref_slice %arg6[%add3A_200, %dma_start3A_201] : memref<512x64xf32, #tpu.memory_space<vmem>> -> memref<1x64xf32, #tpu.memory_space<vmem>>
      %dma_start3A_203 = arith.constant 0 : i32
      %dma_start3A_204 = tpu.memref_slice %arg3[%squeeze3A_198, %dma_start3A_203] : memref<1000000x64xf32, #tpu.memory_space<hbm>> -> memref<1x64xf32, #tpu.memory_space<hbm>>
      %dma_start3A_205 = arith.constant 0 : i32
      %dma_start3A_206 = tpu.memref_slice %arg6[%add3A_200, %dma_start3A_205] : memref<512x64xf32, #tpu.memory_space<vmem>> -> memref<1x64xf32, #tpu.memory_space<vmem>>
      %dma_start3A_207 = arith.constant 0 : i32
      %dma_start3A_208 = tpu.memref_slice %arg3[%squeeze3A_198, %dma_start3A_207] : memref<1000000x64xf32, #tpu.memory_space<hbm>> -> memref<1x64xf32, #tpu.memory_space<hbm>>
      tpu.enqueue_dma source(%dma_start3A_208 : memref<1x64xf32, #tpu.memory_space<hbm>>) target(%dma_start3A_206 : memref<1x64xf32, #tpu.memory_space<vmem>>) target_semaphore(%arg7 : memref<!tpu.dma_semaphore, #tpu.memory_space<semaphore_mem>>)
      %slice3A_209 = vector.extract_strided_slice %get3A_29 {offsets = [15], sizes = [1], strides = [1]} : vector<16xi32> to vector<1xi32>
      %squeeze3A_210 = vector.extract %slice3A_209[0] : i32 from vector<1xi32>
      %add3A_211 = arith.constant 15 : i32
      %add3A_212 = arith.addi %mul3A_31, %add3A_211 : i32
      %dma_start3A_213 = arith.constant 0 : i32
      %dma_start3A_214 = tpu.memref_slice %arg6[%add3A_212, %dma_start3A_213] : memref<512x64xf32, #tpu.memory_space<vmem>> -> memref<1x64xf32, #tpu.memory_space<vmem>>
      %dma_start3A_215 = arith.constant 0 : i32
      %dma_start3A_216 = tpu.memref_slice %arg3[%squeeze3A_210, %dma_start3A_215] : memref<1000000x64xf32, #tpu.memory_space<hbm>> -> memref<1x64xf32, #tpu.memory_space<hbm>>
      %dma_start3A_217 = arith.constant 0 : i32
      %dma_start3A_218 = tpu.memref_slice %arg6[%add3A_212, %dma_start3A_217] : memref<512x64xf32, #tpu.memory_space<vmem>> -> memref<1x64xf32, #tpu.memory_space<vmem>>
      %dma_start3A_219 = arith.constant 0 : i32
      %dma_start3A_220 = tpu.memref_slice %arg3[%squeeze3A_210, %dma_start3A_219] : memref<1000000x64xf32, #tpu.memory_space<hbm>> -> memref<1x64xf32, #tpu.memory_space<hbm>>
      tpu.enqueue_dma source(%dma_start3A_220 : memref<1x64xf32, #tpu.memory_space<hbm>>) target(%dma_start3A_218 : memref<1x64xf32, #tpu.memory_space<vmem>>) target_semaphore(%arg7 : memref<!tpu.dma_semaphore, #tpu.memory_space<semaphore_mem>>)
    }
    %scan3A_7 = arith.constant 32 : i32
    %dma_wait3A = arith.constant 0 : i32
    %dma_wait3A_8 = arith.constant 0 : i32
    %dma_wait3A_9 = tpu.memref_slice %arg3[%dma_wait3A, %dma_wait3A_8] : memref<1000000x64xf32, #tpu.memory_space<hbm>> -> memref<512x64xf32, #tpu.memory_space<hbm>>
    %dma_wait3A_10 = arith.constant 0 : i32
    %dma_wait3A_11 = arith.constant 0 : i32
    %dma_wait3A_12 = tpu.memref_slice %arg3[%dma_wait3A_10, %dma_wait3A_11] : memref<1000000x64xf32, #tpu.memory_space<hbm>> -> memref<512x64xf32, #tpu.memory_space<hbm>>
    tpu.wait_dma2 semaphore(%arg7 : memref<!tpu.dma_semaphore, #tpu.memory_space<semaphore_mem>>) src(%dma_wait3A_12 : memref<512x64xf32, #tpu.memory_space<hbm>>) dst(%arg6 : memref<512x64xf32, #tpu.memory_space<vmem>>)
    %iota3A = tpu.iota {dimensions = array<i32: 0>} : vector<16xi32>
    %shift_right_arithmetic3A = arith.constant 2 : i32
    %shift_right_arithmetic3A_13 = vector.broadcast %shift_right_arithmetic3A : i32 to vector<16xi32>
    %shift_right_arithmetic3A_14 = arith.shrsi %iota3A, %shift_right_arithmetic3A_13 : vector<16xi32>
    %and3A = arith.constant 3 : i32
    %and3A_15 = vector.broadcast %and3A : i32 to vector<16xi32>
    %and3A_16 = arith.andi %iota3A, %and3A_15 : vector<16xi32>
    %mul3A_17 = arith.constant 16 : i32
    %mul3A_18 = vector.broadcast %mul3A_17 : i32 to vector<16xi32>
    %mul3A_19 = arith.muli %and3A_16, %mul3A_18 : vector<16xi32>
    %scan3A_20 = arith.constant 0 : i32
    %scan3A_21 = arith.constant 0 : i32
    %scan3A_22 = arith.constant 128 : i32
    %scan3A_23 = arith.addi %scan3A_21, %scan3A_22 : i32
    %scan3A_24 = arith.constant 1 : i32
    scf.for %scan3A_26 = %scan3A_21 to %scan3A_23 step %scan3A_24  : i32 {
      %mul3A_27 = arith.constant 4 : i32
      %mul3A_28 = arith.muli %scan3A_26, %mul3A_27 : i32
      %add3A_29 = vector.broadcast %mul3A_28 : i32 to vector<16xi32>
      %add3A_30 = arith.addi %shift_right_arithmetic3A_14, %add3A_29 : vector<16xi32>
      %add3A_31 = arith.constant 0 : i32
      %add3A_32 = vector.broadcast %add3A_31 : i32 to vector<16xi32>
      %add3A_33 = arith.addi %mul3A_19, %add3A_32 : vector<16xi32>
      %gather3A = tpu.vector_load_idx %arg6[%add3A_30, %add3A_33] : memref<512x64xf32, #tpu.memory_space<vmem>>[vector<16xi32>, vector<16xi32>], vector<16xf32>,
      %mul3A_34 = arith.mulf %gather3A, %gather3A : vector<16xf32>
      %add3A_35 = arith.constant 1 : i32
      %add3A_36 = vector.broadcast %add3A_35 : i32 to vector<16xi32>
      %add3A_37 = arith.addi %mul3A_19, %add3A_36 : vector<16xi32>
      %gather3A_38 = tpu.vector_load_idx %arg6[%add3A_30, %add3A_37] : memref<512x64xf32, #tpu.memory_space<vmem>>[vector<16xi32>, vector<16xi32>], vector<16xf32>,
      %mul3A_39 = arith.mulf %gather3A_38, %gather3A_38 : vector<16xf32>
      %add3A_40 = arith.addf %mul3A_34, %mul3A_39 : vector<16xf32>
      %add3A_41 = arith.constant 2 : i32
      %add3A_42 = vector.broadcast %add3A_41 : i32 to vector<16xi32>
      %add3A_43 = arith.addi %mul3A_19, %add3A_42 : vector<16xi32>
      %gather3A_44 = tpu.vector_load_idx %arg6[%add3A_30, %add3A_43] : memref<512x64xf32, #tpu.memory_space<vmem>>[vector<16xi32>, vector<16xi32>], vector<16xf32>,
      %mul3A_45 = arith.mulf %gather3A_44, %gather3A_44 : vector<16xf32>
      %add3A_46 = arith.addf %add3A_40, %mul3A_45 : vector<16xf32>
      %add3A_47 = arith.constant 3 : i32
      %add3A_48 = vector.broadcast %add3A_47 : i32 to vector<16xi32>
      %add3A_49 = arith.addi %mul3A_19, %add3A_48 : vector<16xi32>
      %gather3A_50 = tpu.vector_load_idx %arg6[%add3A_30, %add3A_49] : memref<512x64xf32, #tpu.memory_space<vmem>>[vector<16xi32>, vector<16xi32>], vector<16xf32>,
      %mul3A_51 = arith.mulf %gather3A_50, %gather3A_50 : vector<16xf32>
      %add3A_52 = arith.addf %add3A_46, %mul3A_51 : vector<16xf32>
      %add3A_53 = arith.constant 4 : i32
      %add3A_54 = vector.broadcast %add3A_53 : i32 to vector<16xi32>
      %add3A_55 = arith.addi %mul3A_19, %add3A_54 : vector<16xi32>
      %gather3A_56 = tpu.vector_load_idx %arg6[%add3A_30, %add3A_55] : memref<512x64xf32, #tpu.memory_space<vmem>>[vector<16xi32>, vector<16xi32>], vector<16xf32>,
      %mul3A_57 = arith.mulf %gather3A_56, %gather3A_56 : vector<16xf32>
      %add3A_58 = arith.addf %add3A_52, %mul3A_57 : vector<16xf32>
      %add3A_59 = arith.constant 5 : i32
      %add3A_60 = vector.broadcast %add3A_59 : i32 to vector<16xi32>
      %add3A_61 = arith.addi %mul3A_19, %add3A_60 : vector<16xi32>
      %gather3A_62 = tpu.vector_load_idx %arg6[%add3A_30, %add3A_61] : memref<512x64xf32, #tpu.memory_space<vmem>>[vector<16xi32>, vector<16xi32>], vector<16xf32>,
      %mul3A_63 = arith.mulf %gather3A_62, %gather3A_62 : vector<16xf32>
      %add3A_64 = arith.addf %add3A_58, %mul3A_63 : vector<16xf32>
      %add3A_65 = arith.constant 6 : i32
      %add3A_66 = vector.broadcast %add3A_65 : i32 to vector<16xi32>
      %add3A_67 = arith.addi %mul3A_19, %add3A_66 : vector<16xi32>
      %gather3A_68 = tpu.vector_load_idx %arg6[%add3A_30, %add3A_67] : memref<512x64xf32, #tpu.memory_space<vmem>>[vector<16xi32>, vector<16xi32>], vector<16xf32>,
      %mul3A_69 = arith.mulf %gather3A_68, %gather3A_68 : vector<16xf32>
      %add3A_70 = arith.addf %add3A_64, %mul3A_69 : vector<16xf32>
      %add3A_71 = arith.constant 7 : i32
      %add3A_72 = vector.broadcast %add3A_71 : i32 to vector<16xi32>
      %add3A_73 = arith.addi %mul3A_19, %add3A_72 : vector<16xi32>
      %gather3A_74 = tpu.vector_load_idx %arg6[%add3A_30, %add3A_73] : memref<512x64xf32, #tpu.memory_space<vmem>>[vector<16xi32>, vector<16xi32>], vector<16xf32>,
      %mul3A_75 = arith.mulf %gather3A_74, %gather3A_74 : vector<16xf32>
      %add3A_76 = arith.addf %add3A_70, %mul3A_75 : vector<16xf32>
      %add3A_77 = arith.constant 8 : i32
      %add3A_78 = vector.broadcast %add3A_77 : i32 to vector<16xi32>
      %add3A_79 = arith.addi %mul3A_19, %add3A_78 : vector<16xi32>
      %gather3A_80 = tpu.vector_load_idx %arg6[%add3A_30, %add3A_79] : memref<512x64xf32, #tpu.memory_space<vmem>>[vector<16xi32>, vector<16xi32>], vector<16xf32>,
      %mul3A_81 = arith.mulf %gather3A_80, %gather3A_80 : vector<16xf32>
      %add3A_82 = arith.addf %add3A_76, %mul3A_81 : vector<16xf32>
      %add3A_83 = arith.constant 9 : i32
      %add3A_84 = vector.broadcast %add3A_83 : i32 to vector<16xi32>
      %add3A_85 = arith.addi %mul3A_19, %add3A_84 : vector<16xi32>
      %gather3A_86 = tpu.vector_load_idx %arg6[%add3A_30, %add3A_85] : memref<512x64xf32, #tpu.memory_space<vmem>>[vector<16xi32>, vector<16xi32>], vector<16xf32>,
      %mul3A_87 = arith.mulf %gather3A_86, %gather3A_86 : vector<16xf32>
      %add3A_88 = arith.addf %add3A_82, %mul3A_87 : vector<16xf32>
      %add3A_89 = arith.constant 10 : i32
      %add3A_90 = vector.broadcast %add3A_89 : i32 to vector<16xi32>
      %add3A_91 = arith.addi %mul3A_19, %add3A_90 : vector<16xi32>
      %gather3A_92 = tpu.vector_load_idx %arg6[%add3A_30, %add3A_91] : memref<512x64xf32, #tpu.memory_space<vmem>>[vector<16xi32>, vector<16xi32>], vector<16xf32>,
      %mul3A_93 = arith.mulf %gather3A_92, %gather3A_92 : vector<16xf32>
      %add3A_94 = arith.addf %add3A_88, %mul3A_93 : vector<16xf32>
      %add3A_95 = arith.constant 11 : i32
      %add3A_96 = vector.broadcast %add3A_95 : i32 to vector<16xi32>
      %add3A_97 = arith.addi %mul3A_19, %add3A_96 : vector<16xi32>
      %gather3A_98 = tpu.vector_load_idx %arg6[%add3A_30, %add3A_97] : memref<512x64xf32, #tpu.memory_space<vmem>>[vector<16xi32>, vector<16xi32>], vector<16xf32>,
      %mul3A_99 = arith.mulf %gather3A_98, %gather3A_98 : vector<16xf32>
      %add3A_100 = arith.addf %add3A_94, %mul3A_99 : vector<16xf32>
      %add3A_101 = arith.constant 12 : i32
      %add3A_102 = vector.broadcast %add3A_101 : i32 to vector<16xi32>
      %add3A_103 = arith.addi %mul3A_19, %add3A_102 : vector<16xi32>
      %gather3A_104 = tpu.vector_load_idx %arg6[%add3A_30, %add3A_103] : memref<512x64xf32, #tpu.memory_space<vmem>>[vector<16xi32>, vector<16xi32>], vector<16xf32>,
      %mul3A_105 = arith.mulf %gather3A_104, %gather3A_104 : vector<16xf32>
      %add3A_106 = arith.addf %add3A_100, %mul3A_105 : vector<16xf32>
      %add3A_107 = arith.constant 13 : i32
      %add3A_108 = vector.broadcast %add3A_107 : i32 to vector<16xi32>
      %add3A_109 = arith.addi %mul3A_19, %add3A_108 : vector<16xi32>
      %gather3A_110 = tpu.vector_load_idx %arg6[%add3A_30, %add3A_109] : memref<512x64xf32, #tpu.memory_space<vmem>>[vector<16xi32>, vector<16xi32>], vector<16xf32>,
      %mul3A_111 = arith.mulf %gather3A_110, %gather3A_110 : vector<16xf32>
      %add3A_112 = arith.addf %add3A_106, %mul3A_111 : vector<16xf32>
      %add3A_113 = arith.constant 14 : i32
      %add3A_114 = vector.broadcast %add3A_113 : i32 to vector<16xi32>
      %add3A_115 = arith.addi %mul3A_19, %add3A_114 : vector<16xi32>
      %gather3A_116 = tpu.vector_load_idx %arg6[%add3A_30, %add3A_115] : memref<512x64xf32, #tpu.memory_space<vmem>>[vector<16xi32>, vector<16xi32>], vector<16xf32>,
      %mul3A_117 = arith.mulf %gather3A_116, %gather3A_116 : vector<16xf32>
      %add3A_118 = arith.addf %add3A_112, %mul3A_117 : vector<16xf32>
      %add3A_119 = arith.constant 15 : i32
      %add3A_120 = vector.broadcast %add3A_119 : i32 to vector<16xi32>
      %add3A_121 = arith.addi %mul3A_19, %add3A_120 : vector<16xi32>
      %gather3A_122 = tpu.vector_load_idx %arg6[%add3A_30, %add3A_121] : memref<512x64xf32, #tpu.memory_space<vmem>>[vector<16xi32>, vector<16xi32>], vector<16xf32>,
      %mul3A_123 = arith.mulf %gather3A_122, %gather3A_122 : vector<16xf32>
      %add3A_124 = arith.addf %add3A_118, %mul3A_123 : vector<16xf32>
      %bitcast3A = vector.bitcast %add3A_124 : vector<16xf32> to vector<16xi32>
      %shift_right_arithmetic3A_125 = arith.constant 1 : i32
      %shift_right_arithmetic3A_126 = vector.broadcast %shift_right_arithmetic3A_125 : i32 to vector<16xi32>
      %shift_right_arithmetic3A_127 = arith.shrsi %bitcast3A, %shift_right_arithmetic3A_126 : vector<16xi32>
      %sub3A = arith.constant 1597463007 : i32
      %sub3A_128 = vector.broadcast %sub3A : i32 to vector<16xi32>
      %sub3A_129 = arith.subi %sub3A_128, %shift_right_arithmetic3A_127 : vector<16xi32>
      %bitcast3A_130 = vector.bitcast %sub3A_129 : vector<16xi32> to vector<16xf32>
      %mul3A_131 = arith.constant 5.000000e-01 : f32
      %mul3A_132 = vector.broadcast %mul3A_131 : f32 to vector<16xf32>
      %mul3A_133 = arith.mulf %add3A_124, %mul3A_132 : vector<16xf32>
      %mul3A_134 = arith.mulf %mul3A_133, %bitcast3A_130 : vector<16xf32>
      %mul3A_135 = arith.mulf %mul3A_134, %bitcast3A_130 : vector<16xf32>
      %sub3A_136 = arith.constant 1.500000e+00 : f32
      %sub3A_137 = vector.broadcast %sub3A_136 : f32 to vector<16xf32>
      %sub3A_138 = arith.subf %sub3A_137, %mul3A_135 : vector<16xf32>
      %mul3A_139 = arith.mulf %bitcast3A_130, %sub3A_138 : vector<16xf32>
      %mul3A_140 = arith.mulf %mul3A_133, %mul3A_139 : vector<16xf32>
      %mul3A_141 = arith.mulf %mul3A_140, %mul3A_139 : vector<16xf32>
      %sub3A_142 = arith.constant 1.500000e+00 : f32
      %sub3A_143 = vector.broadcast %sub3A_142 : f32 to vector<16xf32>
      %sub3A_144 = arith.subf %sub3A_143, %mul3A_141 : vector<16xf32>
      %mul3A_145 = arith.mulf %mul3A_139, %sub3A_144 : vector<16xf32>
      %mul3A_146 = arith.mulf %mul3A_133, %mul3A_145 : vector<16xf32>
      %mul3A_147 = arith.mulf %mul3A_146, %mul3A_145 : vector<16xf32>
      %sub3A_148 = arith.constant 1.500000e+00 : f32
      %sub3A_149 = vector.broadcast %sub3A_148 : f32 to vector<16xf32>
      %sub3A_150 = arith.subf %sub3A_149, %mul3A_147 : vector<16xf32>
      %mul3A_151 = arith.mulf %mul3A_145, %sub3A_150 : vector<16xf32>
      %add3A_152 = arith.constant 0 : i32
      %add3A_153 = vector.broadcast %add3A_152 : i32 to vector<16xi32>
      %add3A_154 = arith.addi %mul3A_19, %add3A_153 : vector<16xi32>
      %mul3A_155 = arith.mulf %gather3A, %mul3A_151 : vector<16xf32>
      tpu.vector_store_idx %arg6[%add3A_30, %add3A_154], %mul3A_155 : memref<512x64xf32, #tpu.memory_space<vmem>>[vector<16xi32>, vector<16xi32>], vector<16xf32>,
      %add3A_156 = arith.constant 1 : i32
      %add3A_157 = vector.broadcast %add3A_156 : i32 to vector<16xi32>
      %add3A_158 = arith.addi %mul3A_19, %add3A_157 : vector<16xi32>
      %mul3A_159 = arith.mulf %gather3A_38, %mul3A_151 : vector<16xf32>
      tpu.vector_store_idx %arg6[%add3A_30, %add3A_158], %mul3A_159 : memref<512x64xf32, #tpu.memory_space<vmem>>[vector<16xi32>, vector<16xi32>], vector<16xf32>,
      %add3A_160 = arith.constant 2 : i32
      %add3A_161 = vector.broadcast %add3A_160 : i32 to vector<16xi32>
      %add3A_162 = arith.addi %mul3A_19, %add3A_161 : vector<16xi32>
      %mul3A_163 = arith.mulf %gather3A_44, %mul3A_151 : vector<16xf32>
      tpu.vector_store_idx %arg6[%add3A_30, %add3A_162], %mul3A_163 : memref<512x64xf32, #tpu.memory_space<vmem>>[vector<16xi32>, vector<16xi32>], vector<16xf32>,
      %add3A_164 = arith.constant 3 : i32
      %add3A_165 = vector.broadcast %add3A_164 : i32 to vector<16xi32>
      %add3A_166 = arith.addi %mul3A_19, %add3A_165 : vector<16xi32>
      %mul3A_167 = arith.mulf %gather3A_50, %mul3A_151 : vector<16xf32>
      tpu.vector_store_idx %arg6[%add3A_30, %add3A_166], %mul3A_167 : memref<512x64xf32, #tpu.memory_space<vmem>>[vector<16xi32>, vector<16xi32>], vector<16xf32>,
      %add3A_168 = arith.constant 4 : i32
      %add3A_169 = vector.broadcast %add3A_168 : i32 to vector<16xi32>
      %add3A_170 = arith.addi %mul3A_19, %add3A_169 : vector<16xi32>
      %mul3A_171 = arith.mulf %gather3A_56, %mul3A_151 : vector<16xf32>
      tpu.vector_store_idx %arg6[%add3A_30, %add3A_170], %mul3A_171 : memref<512x64xf32, #tpu.memory_space<vmem>>[vector<16xi32>, vector<16xi32>], vector<16xf32>,
      %add3A_172 = arith.constant 5 : i32
      %add3A_173 = vector.broadcast %add3A_172 : i32 to vector<16xi32>
      %add3A_174 = arith.addi %mul3A_19, %add3A_173 : vector<16xi32>
      %mul3A_175 = arith.mulf %gather3A_62, %mul3A_151 : vector<16xf32>
      tpu.vector_store_idx %arg6[%add3A_30, %add3A_174], %mul3A_175 : memref<512x64xf32, #tpu.memory_space<vmem>>[vector<16xi32>, vector<16xi32>], vector<16xf32>,
      %add3A_176 = arith.constant 6 : i32
      %add3A_177 = vector.broadcast %add3A_176 : i32 to vector<16xi32>
      %add3A_178 = arith.addi %mul3A_19, %add3A_177 : vector<16xi32>
      %mul3A_179 = arith.mulf %gather3A_68, %mul3A_151 : vector<16xf32>
      tpu.vector_store_idx %arg6[%add3A_30, %add3A_178], %mul3A_179 : memref<512x64xf32, #tpu.memory_space<vmem>>[vector<16xi32>, vector<16xi32>], vector<16xf32>,
      %add3A_180 = arith.constant 7 : i32
      %add3A_181 = vector.broadcast %add3A_180 : i32 to vector<16xi32>
      %add3A_182 = arith.addi %mul3A_19, %add3A_181 : vector<16xi32>
      %mul3A_183 = arith.mulf %gather3A_74, %mul3A_151 : vector<16xf32>
      tpu.vector_store_idx %arg6[%add3A_30, %add3A_182], %mul3A_183 : memref<512x64xf32, #tpu.memory_space<vmem>>[vector<16xi32>, vector<16xi32>], vector<16xf32>,
      %add3A_184 = arith.constant 8 : i32
      %add3A_185 = vector.broadcast %add3A_184 : i32 to vector<16xi32>
      %add3A_186 = arith.addi %mul3A_19, %add3A_185 : vector<16xi32>
      %mul3A_187 = arith.mulf %gather3A_80, %mul3A_151 : vector<16xf32>
      tpu.vector_store_idx %arg6[%add3A_30, %add3A_186], %mul3A_187 : memref<512x64xf32, #tpu.memory_space<vmem>>[vector<16xi32>, vector<16xi32>], vector<16xf32>,
      %add3A_188 = arith.constant 9 : i32
      %add3A_189 = vector.broadcast %add3A_188 : i32 to vector<16xi32>
      %add3A_190 = arith.addi %mul3A_19, %add3A_189 : vector<16xi32>
      %mul3A_191 = arith.mulf %gather3A_86, %mul3A_151 : vector<16xf32>
      tpu.vector_store_idx %arg6[%add3A_30, %add3A_190], %mul3A_191 : memref<512x64xf32, #tpu.memory_space<vmem>>[vector<16xi32>, vector<16xi32>], vector<16xf32>,
      %add3A_192 = arith.constant 10 : i32
      %add3A_193 = vector.broadcast %add3A_192 : i32 to vector<16xi32>
      %add3A_194 = arith.addi %mul3A_19, %add3A_193 : vector<16xi32>
      %mul3A_195 = arith.mulf %gather3A_92, %mul3A_151 : vector<16xf32>
      tpu.vector_store_idx %arg6[%add3A_30, %add3A_194], %mul3A_195 : memref<512x64xf32, #tpu.memory_space<vmem>>[vector<16xi32>, vector<16xi32>], vector<16xf32>,
      %add3A_196 = arith.constant 11 : i32
      %add3A_197 = vector.broadcast %add3A_196 : i32 to vector<16xi32>
      %add3A_198 = arith.addi %mul3A_19, %add3A_197 : vector<16xi32>
      %mul3A_199 = arith.mulf %gather3A_98, %mul3A_151 : vector<16xf32>
      tpu.vector_store_idx %arg6[%add3A_30, %add3A_198], %mul3A_199 : memref<512x64xf32, #tpu.memory_space<vmem>>[vector<16xi32>, vector<16xi32>], vector<16xf32>,
      %add3A_200 = arith.constant 12 : i32
      %add3A_201 = vector.broadcast %add3A_200 : i32 to vector<16xi32>
      %add3A_202 = arith.addi %mul3A_19, %add3A_201 : vector<16xi32>
      %mul3A_203 = arith.mulf %gather3A_104, %mul3A_151 : vector<16xf32>
      tpu.vector_store_idx %arg6[%add3A_30, %add3A_202], %mul3A_203 : memref<512x64xf32, #tpu.memory_space<vmem>>[vector<16xi32>, vector<16xi32>], vector<16xf32>,
      %add3A_204 = arith.constant 13 : i32
      %add3A_205 = vector.broadcast %add3A_204 : i32 to vector<16xi32>
      %add3A_206 = arith.addi %mul3A_19, %add3A_205 : vector<16xi32>
      %mul3A_207 = arith.mulf %gather3A_110, %mul3A_151 : vector<16xf32>
      tpu.vector_store_idx %arg6[%add3A_30, %add3A_206], %mul3A_207 : memref<512x64xf32, #tpu.memory_space<vmem>>[vector<16xi32>, vector<16xi32>], vector<16xf32>,
      %add3A_208 = arith.constant 14 : i32
      %add3A_209 = vector.broadcast %add3A_208 : i32 to vector<16xi32>
      %add3A_210 = arith.addi %mul3A_19, %add3A_209 : vector<16xi32>
      %mul3A_211 = arith.mulf %gather3A_116, %mul3A_151 : vector<16xf32>
      tpu.vector_store_idx %arg6[%add3A_30, %add3A_210], %mul3A_211 : memref<512x64xf32, #tpu.memory_space<vmem>>[vector<16xi32>, vector<16xi32>], vector<16xf32>,
      %add3A_212 = arith.constant 15 : i32
      %add3A_213 = vector.broadcast %add3A_212 : i32 to vector<16xi32>
      %add3A_214 = arith.addi %mul3A_19, %add3A_213 : vector<16xi32>
      %mul3A_215 = arith.mulf %gather3A_122, %mul3A_151 : vector<16xf32>
      tpu.vector_store_idx %arg6[%add3A_30, %add3A_214], %mul3A_215 : memref<512x64xf32, #tpu.memory_space<vmem>>[vector<16xi32>, vector<16xi32>], vector<16xf32>,
    }
    %scan3A_25 = arith.constant 128 : i32
    "tpu.region"() ({
      %run_scoped3A = tpu.sem_alloc : memref<!tpu.dma_semaphore, #tpu.memory_space<semaphore_mem>>
      %dma_start3A = arith.constant 0 : i32
      %dma_start3A_26 = tpu.memref_slice %arg4[%mul3A_2, %dma_start3A] : memref<16384x64xf32, #tpu.memory_space<hbm>> -> memref<512x64xf32, #tpu.memory_space<hbm>>
      %dma_start3A_27 = arith.constant 0 : i32
      %dma_start3A_28 = tpu.memref_slice %arg4[%mul3A_2, %dma_start3A_27] : memref<16384x64xf32, #tpu.memory_space<hbm>> -> memref<512x64xf32, #tpu.memory_space<hbm>>
      tpu.enqueue_dma source(%arg6 : memref<512x64xf32, #tpu.memory_space<vmem>>) target(%dma_start3A_28 : memref<512x64xf32, #tpu.memory_space<hbm>>) target_semaphore(%run_scoped3A : memref<!tpu.dma_semaphore, #tpu.memory_space<semaphore_mem>>)
      %dma_wait3A_29 = arith.constant 0 : i32
      %dma_wait3A_30 = tpu.memref_slice %arg4[%mul3A_2, %dma_wait3A_29] : memref<16384x64xf32, #tpu.memory_space<hbm>> -> memref<512x64xf32, #tpu.memory_space<hbm>>
      %dma_wait3A_31 = arith.constant 0 : i32
      %dma_wait3A_32 = tpu.memref_slice %arg4[%mul3A_2, %dma_wait3A_31] : memref<16384x64xf32, #tpu.memory_space<hbm>> -> memref<512x64xf32, #tpu.memory_space<hbm>>
      tpu.wait_dma2 semaphore(%run_scoped3A : memref<!tpu.dma_semaphore, #tpu.memory_space<semaphore_mem>>) src(%arg6 : memref<512x64xf32, #tpu.memory_space<vmem>>) dst(%dma_wait3A_32 : memref<512x64xf32, #tpu.memory_space<hbm>>)
      tpu.yield
    }) : () -> ()
    return
  }
}

</mosaic_0001>

<sc_bundles>
// kernel: kernel.3.cloned.1.call-start
scs
__scs_entry_jumppad:
0x0: {  	(pc) =	sbr.rel $0x88, $3  }
0x1: {  	(tag) =	ssettag $0x0;
	lr =	simm.s32 $0x1  }
0x2: {  	[smem:$0x3F9F] =	sst lr;
	_ =	strace $0xD0000000  }
0x3: {  	_ = 	snop  }
0x4: {  	_ = 	snop  }
0x5: {  	_ = 	snop  }
0x6: {  	_ = 	snop  }
0x7: {  	_ = 	snop  }
__scs_overlays_trampoline_lowered:
0x8: {  	[smem:$0x3FAE] =	sst s0  }
0x9: {  	[smem:$0x3FAF] =	sst s1  }
0xa: {  	[smem:$0x3FB0] =	sst s2  }
0xb: {  	[smem:$0x3FB1] =	sst s3  }
0xc: {  	[smem:$0x3FB2] =	sst s4  }
0xd: {  	[smem:$0x3FB3] =	sst s5  }
0xe: {  	[smem:$0x3FB4] =	sst s6  }
0xf: {  	[smem:$0x3FB5] =	sst s7  }
0x10: {  	[smem:$0x3FB6] =	sst s8  }
0x11: {  	[smem:$0x3FB7] =	sst s9;
	s0 =	simm.s32 @!p0 $0x0  }
0x12: {  	s1 =	sld [smem:$0x3F9D];
	s0 =	simm.s32 @p0 $0x1  }
0x13: {  	[smem:$0x3FB8] =	sst s0;
	s0 =	simm.s32 @!p1 $0x0  }
0x14: {  	s2 =	sld [smem:$0x3F9C];
	s0 =	simm.s32 @p1 $0x1  }
0x15: {  	[smem:$0x3FB9] =	sst s0;
	s0 =	simm.s32 @!p2 $0x0  }
0x16: {  	s3 =	sld [smem:$0x3FDB];
	s0 =	simm.s32 @p2 $0x1  }
0x17: {  	s4 =	simm.s32 $0x1BF5;
	[smem:$0x3FBB] =	sst s0  }
0x18: {  	s0 =	sld [smem:$0x3F9E];
	_ =	swait.ge [sflag:s4], $0x0  }
0x19: {  	s7 =	sld [smem:$0x3F9F]  }
0x1a: {  	s8 =	sadd.s32 $0xFFFFE003, lr  }
0x1b: {  	s9 =	sadd.s32 $0xFFFFFEF7, lr;
	s5 =	simm.s32 $0xFFFFFFFF;
	p2 =	slt.u32 s8, $0xFFFFF086  }
0x1c: {  	p1 =	slt.u32 s9, $0xF7A;
	s5 =	simm.s32 @!p2 $0x0  }
0x1d: {  	s5 =	simm.s32 @p1 $0x1;
	p0 =	seq.s32 s7, s2  }
0x1e: {  	s7 =	smul.u32 @!p0 $0xF7A, s2;
	p2 =	seq.s32 @!p0 s5, $0x0  }
0x1f: {  	s9 =	smul.u32 $0xF7A, s1;
	s8 =	simm.s32 @!p0 $0x1BF5;
	p2 =	por !p2, p0  }
0x20: {  	[sflag:s8] =	ssyncset.s32 @!p0 $0xFFFFF086;
	s6 =	sadd.s32 @!p0 s3, s7;
	s7 =	simm.s32 @!p0 $0x108  }
0x21: {  	s3 =	sadd.s32 s3, s9;
	s6 =	sadd.s32 @!p0 $0x88, s6;
	s7 =	simm.s32 @p2 $0x1082  }
0x22: {  	[simem:s7], [sflag:s8] =	dma.local @!p0 [hbm:s6], $0xF7A  }
0x23: {  	s9 =	sor.u32 $0xD0000000, s2;
	s6 =	simm.s32 $0x108;
	_ =	swait.ge @!p0 [sflag:s8], $0x0  }
0x24: {  	s3 =	sadd.s32 $0x88, s3;
	s6 =	simm.s32 @!p1 $0x1082;
	[sflag:s4] =	ssyncset.s32 $0xFFFFF086  }
0x25: {  	[simem:s6], [sflag:s4] =	dma.local [hbm:s3], $0xF7A  }
0x26: {  	[smem:$0x3F9F] =	sst s1;
	(tag) =	ssettag s2;
	_ =	strace s9  }
0x27: {  	s1 =	sld [smem:$0x3FAF]  }
0x28: {  	s2 =	sld [smem:$0x3FB0]  }
0x29: {  	s4 =	sld [smem:$0x3FB2]  }
0x2a: {  	p0 =	seq.s32 s5, $0x0;
	s5 =	sld [smem:$0x3FB3]  }
0x2b: {  	s6 =	sld [smem:$0x3FB4]  }
0x2c: {  	s7 =	sld [smem:$0x3FB5]  }
0x2d: {  	s3 =	simm.s32 $0x108;
	s8 =	sld [smem:$0x3FB6]  }
0x2e: {  	s3 =	simm.s32 @!p0 $0x1082;
	s9 =	sld [smem:$0x3FB7]  }
0x2f: {  	lr =	sadd.s32 s0, s3;
	s0 =	sld [smem:$0x3FAE]  }
0x30: {  	s3 =	sld [smem:$0x3FB1]  }
0x31: {  	[smem:$0x3FBA] =	sst s10  }
0x32: {  	s10 =	sld [smem:$0x3FB8];
	_ =	sdelay $0x3  }
0x33: {  	p0 =	seq.s32 s10, $0x1;
	s10 =	sld [smem:$0x3FBA];
	_ =	sdelay $0x3  }
0x34: {  	[smem:$0x3FBA] =	sst s10  }
0x35: {  	s10 =	sld [smem:$0x3FB9];
	_ =	sdelay $0x3  }
0x36: {  	p1 =	seq.s32 s10, $0x1;
	s10 =	sld [smem:$0x3FBA];
	_ =	sdelay $0x3  }
0x37: {  	[smem:$0x3FBA] =	sst s10  }
0x38: {  	s10 =	sld [smem:$0x3FBB]  }
0x39: {  	_ = 	snop;
	(pc) =	sbr.ind lr, $3  }
0x3a: {  	_ = 	snop  }
0x3b: {  	_ = 	snop  }
0x3c: {  	p2 =	seq.s32 s10, $0x1;
	s10 =	sld [smem:$0x3FBA]  }
0x3d: {  	_ =	shalt  }
0x3e: {  	_ =	shalt  }
0x3f: {  	_ =	shalt  }
0x40: {  	_ =	shalt  }
0x41: {  	_ =	shalt  }
0x42: {  	_ =	shalt  }
0x43: {  	_ =	shalt  }
0x44: {  	_ =	shalt  }
0x45: {  	_ =	shalt  }
0x46: {  	_ =	shalt  }
0x47: {  	_ =	shalt  }
0x48: {  	_ =	shalt  }
0x49: {  	_ =	shalt  }
0x4a: {  	_ =	shalt  }
0x4b: {  	_ =	shalt  }
0x4c: {  	_ =	shalt  }
0x4d: {  	_ =	shalt  }
0x4e: {  	_ =	shalt  }
0x4f: {  	_ =	shalt  }
0x50: {  	_ =	shalt  }
0x51: {  	_ =	shalt  }
0x52: {  	_ =	shalt  }
0x53: {  	_ =	shalt  }
0x54: {  	_ =	shalt  }
0x55: {  	_ =	shalt  }
0x56: {  	_ =	shalt  }
0x57: {  	_ =	shalt  }
0x58: {  	_ =	shalt  }
0x59: {  	_ =	shalt  }
0x5a: {  	_ =	shalt  }
0x5b: {  	_ =	shalt  }
0x5c: {  	_ =	shalt  }
0x5d: {  	_ =	shalt  }
0x5e: {  	_ =	shalt  }
0x5f: {  	_ =	shalt  }
0x60: {  	_ =	shalt  }
0x61: {  	_ =	shalt  }
0x62: {  	_ =	shalt  }
0x63: {  	_ =	shalt  }
0x64: {  	_ =	shalt  }
0x65: {  	_ =	shalt  }
0x66: {  	_ =	shalt  }
0x67: {  	_ =	shalt  }
0x68: {  	_ =	shalt  }
0x69: {  	_ =	shalt  }
0x6a: {  	_ =	shalt  }
0x6b: {  	_ =	shalt  }
0x6c: {  	_ =	shalt  }
0x6d: {  	_ =	shalt  }
0x6e: {  	_ =	shalt  }
0x6f: {  	_ =	shalt  }
0x70: {  	_ =	shalt  }
0x71: {  	_ =	shalt  }
0x72: {  	_ =	shalt  }
0x73: {  	_ =	shalt  }
0x74: {  	_ =	shalt  }
0x75: {  	_ =	shalt  }
0x76: {  	_ =	shalt  }
0x77: {  	_ =	shalt  }
0x78: {  	_ =	shalt  }
0x79: {  	_ =	shalt  }
0x7a: {  	_ =	shalt  }
0x7b: {  	_ =	shalt  }
0x7c: {  	_ =	shalt  }
0x7d: {  	_ =	shalt  }
0x7e: {  	_ =	shalt  }
0x7f: {  	_ =	shalt  }
0x80: {  	_ =	shalt  }
0x81: {  	_ =	shalt  }
0x82: {  	_ =	shalt  }
0x83: {  	_ =	shalt  }
0x84: {  	_ =	shalt  }
0x85: {  	_ =	shalt  }
0x86: {  	_ =	shalt  }
0x87: {  	_ =	shalt  }
.Lfunc_end0:
.L_simem_size_0:
called_computation_lowered:
.L_overlay_start_0:
0x88: {  	s2 =	sld [smem:$0x3FD9]  }
0x89: {  	s3 =	sld [smem:$0x3FFE];
	_ =	sdelay $0x1  }
0x8a: {  	s1 =	srdreg.scid  }
0x8b: {  	s0 =	sand.u32 $0x1, s1  }
0x8c: {  	s17 =	sshll.u32 s0, $0xA;
	s2 =	sadd.s32 s3, s2  }
0x8d: {  	s2 =	sadd.s32 s2, s17  }
0x8e: {  	[smem:$0x3FC6] =	sst s2  }
0x8f: {  	_ = 	snop  }
0x90: {  	s2 =	sld [smem:$0x3FC9];
	(tm) =	ssettm $0x1  }
0x91: {  	s18 =	sld [smem:$0x3FFB];
	_ =	sdelay $0x3  }
0x92: {  	_ =	strace s18  }
0x93: {  	s3 =	sld [smem:$0x3FFC];
	_ =	sdelay $0x3  }
0x94: {  	_ =	strace s3  }
0x95: {  	s3 =	sld [smem:$0x3FFD];
	_ =	sdelay $0x3  }
0x96: {  	_ =	strace s3  }
0x97: {  	_ =	strace $0x8FFFFFFF  }
0x98: {  	s19 =	sld [smem:$0x3FDB];
	_ =	sdelay $0x1  }
0x99: {  	s4 =	simm.s32 $_scs_section_size  }
0x9a: {  	s5 =	simm.s32 $_size__tile_overlayer_lowered;
	s6 =	simm.s32 $_tile_overlayer_lowered  }
0x9b: {  	s22 =	simm.s32 $0x1BFF;
	s21 =	sshll.u32 s6, $0x1;
	s3 =	sadd.s32 s4, s19  }
0x9c: {  	s7 =	simm.s32 $0x0;
	s20 =	sshll.u32 s5, $0x1;
	s5 =	sadd.s32 s21, s3  }
0x9d: {  	[timem:s7], [sflag:s22] =	dma.local [hbm:s5], s20  }
0x9e: {  	_ =	swait.ge [sflag:s22], s20  }
0x9f: {  	s4 =	ssub.s32 $0x0, s20;
	[sflag:s22] =	ssyncset.done $0x0  }
0xa0: {  	[sflag:s22] =	ssyncadd.s32 s4;
	_ =	sdelay $0x1  }
0xa1: {  	s23 =	simm.s32 $0x1B8B  }
0xa2: {  	_ =	swait.ge [sflag:s23], $0x1  }
0xa3: {  	[sflag:s23] =	ssyncset.done $0x0  }
0xa4: {  	s25 =	simm.s32 $0x1B8E;
	s24 =	sld [smem:$0x3FFE];
	[sflag:s23] =	ssyncadd.s32 $0xFFFFFFFF  }
0xa5: {  	s26 =	simm.s32 $execute0_lowered;
	[smem:$0x3FD2] =	sst s25  }
0xa6: {  	s5 =	sshll.u32 s26, $0x1;
	_ =	strace $0x80000046;
	[dreg:$0x1] =	wrdreg $0xFFFFFFFF  }
0xa7: {  	s28 =	simm.s32 $_size_execute0_lowered;
	s3 =	sadd.s32 s3, s5;
	[dreg:$0x0] =	wrdreg $0x0  }
0xa8: {  	s5 =	sshll.u32 s28, $0x1;
	[dreg:$0x2] =	wrdreg s3  }
0xa9: {  	[dreg:$0x3] =	wrdreg s5  }
0xaa: {  	[dreg:$0x4] =	wrdreg $0xC0  }
0xab: {  	_ =	task [dreg:s7], $0x5FFFF  }
0xac: {  	[dreg:$0x1] =	wrdreg $0xFFFFFFFF  }
0xad: {  	[dreg:$0x0] =	wrdreg $0x60  }
0xae: {  	[dreg:$0x2] =	wrdreg s2  }
0xaf: {  	[dreg:$0x3] =	wrdreg s24  }
0xb0: {  	[dreg:$0x4] =	wrdreg $0x9  }
0xb1: {  	_ =	task.clear_ibuf [dreg:s7], $0x5FFFF;
	_ =	strace $0x90000046  }
0xb2: {  	s29 =	simm.s32 $0x9;
	_ =	strace $0x80000048  }
0xb3: {  	_ =	swait.ge [sflag:s29], $0x1  }
0xb4: {  	[sflag:s29] =	ssyncadd.s32 $0xFFFFFFFF  }
0xb5: {  	_ =	strace $0x90000048  }
0xb6: {  	_ =	sfence  }
0xb7: {  	s30 =	sld [smem:$0x0];
	_ =	sdelay $0x2  }
0xb8: {  	s31 =	sshll.u32 s1, $0xD;
	s1 =	sshrl.u32 s1, $0x2  }
0xb9: {  	s3 =	sand.u32 $0x4000, s31;
	s1 =	sadd.s32 s1, s30  }
0xba: {  	s0 =	sor.u32 s3, s0;
	s1 =	sshll.u32 s1, $0x11  }
0xbb: {  	s0 =	sor.u32 s1, s0  }
0xbc: {  	s0 =	sadd.s32 $0x8F2B, s0  }
0xbd: {  	[sflag:s0] =	ssyncadd.remote.s32 $0x1  }
0xbe: {  	_ =	sfence.sel $0xFFFF  }
0xbf: {  	[dreg:$0x0] =	wrdreg $0xFFFFFFFF;
	(pc) =	sbr.abs _section_cstart, $3  }
0xc0: {  	[dreg:$0x1] =	wrdreg $0xFFFFFFFF  }
0xc1: {  	_ =	task.clear_ibuf [dreg:s7], $0x2FFFF;
	_ =	strace $0x9FFFFFFF  }
0xc2: {  	(tm) =	ssettm $0x7FFFFFFF  }
0xc3: {  	_ =	shalt  }
tec
execute0_lowered:
.L_overlay_start_1:
0x0: {  	(tag) =	ssettag $0x1  }
0x1: {  	s4 =	rddreg [dreg:$0x0]  }
0x2: {  	s5 =	rddreg [dreg:$0x1];
	v0 =	vlaneseq.u32  }
0x3: {  	s0 =	rddreg [dreg:$0x2];
	s2 =	simm.s32 $0x0;
	s3 =	srdreg.scid;
	v1 =	vand.u32 $0x3, v0  }
0x4: {  	s1 =	stileid.u32;
	s10 =	simm.s32 $0x0;
	s6 =	sand.u32 $0x1, s3;
	v2 =	vshrl.u32 v0, $0x2;
	v0 =	vmul.u32 $0x10, v1  }
0x5: {  	[smem:$0x7FF] =	sst s2;
	s7 =	sshll.u32 s1, $0xA;
	s8 =	sshll.u32 s6, $0x9;
	v1 =	vmul.u32 $0x80, v2  }
0x6: {  	s3 =	sadd.s32 $0x400, s5;
	s6 =	ssub.s32 $0x2, s6;
	s7 =	sor.u32 s8, s7;
	v2 =	vor.u32 $0x1, v0;
	v3 =	vor.u32 $0x2, v0;
	v4 =	vor.u32 $0x3, v0  }
0x7: {  	_ =	strace $0x80000047;
	s9 =	sshrl.u32 s6, $0x1;
	s8 =	sshll.u32 s7, $0x4;
	v5 =	vor.u32 $0x4, v0;
	v6 =	vor.u32 $0x5, v0;
	v7 =	vor.u32 $0x6, v0  }
0x8: {  	s7 =	sshrl.u32 s7, $0x3;
	s6 =	ssub.s32 s6, s9;
	v8 =	vor.u32 $0x7, v0;
	v9 =	vor.u32 $0x8, v0;
	v10 =	vor.u32 $0x9, v0;
	s9 =	simm.s32 $0x200  }
0x9: {  	v11 =	vor.u32 $0xA, v0;
	v12 =	vor.u32 $0xB, v0;
	v13 =	vor.u32 $0xC, v0;
	s5 =	sadd.s32 s8, s5;
	s4 =	sadd.s32 s4, s7;
	s6 =	smax.u32 s6, $0x1  }
0xa: {  	v14 =	vor.u32 $0xD, v0;
	v15 =	vor.u32 $0xE, v0;
	v16 =	vor.u32 $0xF, v0;
	s7 =	simm.s32 $0x2;
	s8 =	simm.s32 $0x1;
	s5 =	sadd.s32 $0xF42800, s5  }
.LBB2_1:
0xb: {  	[tilespmem:s2], [sflag:$0x2] =	stream.linear.gather [hbm4b:s4+s2], $0x200, $0x38;
	[tilespmem:$0x10200] =	vst v63  }
0xc: {  	_ =	swait.ge [sflag:s7], $0x200  }
0xd: {  	[sflag:s7] =	ssyncset.done $0x0  }
0xe: {  	[sflag:s7] =	ssyncadd.s32 $0xFFFFFE00  }
0xf: {  	v17 =	vld [tilespmem:s2+$0x0];
	_ =	sdelay $0x4  }
0x10: {  	v17 =	vshll.u32 v17, $0x4  }
0x11: {  	(v2sf) =	vpush v17, $0x0  }
0x12: {  	(v2sf) =	vpush v17, $0x1  }
0x13: {  	(v2sf) =	vpush v17, $0x2;
	_ =	sdelay $0x1  }
0x14: {  	(v2sf) =	vpush v17, $0x4;
	_ =	sdelay $0x1  }
0x15: {  	(v2sf) =	vpush v17, $0x3  }
0x16: {  	(v2sf) =	vpush v17, $0x5  }
0x17: {  	s12 =	simm.s32 $0x2000;
	s11 =	simm.s32 $0x0;
	s13 =	simm.s32 $0x0;
	(v2sf) =	vpush v17, $0x6  }
.LBB2_2:
0x18: {  	p0 =	sne.s32 s12, $0x3E000  }
0x19: {  	s23 =	sadd.s32 $0x280, s11;
	s17 =	sadd.s32 $0x780, s11;
	s14 =	smov.u32 s12  }
0x1a: {  	s12 =	sadd.s32 $0x2000, s12;
	s20 =	sadd.s32 $0x580, s11;
	s15 =	sadd.s32 $0x800, s11;
	(v2sf) =	vpush v17, $0x7  }
0x1b: {  	s22 =	sadd.s32 $0x480, s11;
	s19 =	sadd.s32 $0x600, s11;
	s16 =	sadd.s32 $0x880, s11  }
0x1c: {  	s24 =	sadd.s32 $0x200, s11;
	s25 =	sadd.s32 $0x400, s11;
	(v2sf) =	vpush v17, $0x8  }
0x1d: {  	s26 =	sadd.s32 $0x500, s11;
	s13 =	sadd.s32 $0x10, s13  }
0x1e: {  	s28 =	sadd.s32 $0x300, s11;
	s18 =	sadd.s32 $0x700, s11;
	s21 =	spop (v2sf);
	(v2sf) =	vpush v17, $0x9  }
0x1f: {  	s29 =	sand.u32 $0x1FFFFFF0, s21;
	s21 =	sadd.s32 $0x680, s11;
	s30 =	spop (v2sf)  }
0x20: {  	s29 =	sadd.s32 s3, s29;
	s30 =	sand.u32 $0x1FFFFFF0, s30;
	s31 =	spop (v2sf);
	(v2sf) =	vpush v17, $0xA  }
0x21: {  	[tilespmem:s24], [sflag:$0x1] =	stream.linear.gather [hbm4b:s29+s2], $0x80, $0x38;
	[tilespmem:$0x10200] =	vst v63  }
0x22: {  	s24 =	sadd.s32 s3, s30;
	s29 =	sadd.s32 $0x380, s11;
	s30 =	spop (v2sf);
	(v2sf) =	vpush v17, $0xB  }
0x23: {  	[tilespmem:s23], [sflag:$0x1] =	stream.linear.gather [hbm4b:s24+s2], $0x80, $0x38;
	[tilespmem:$0x10200] =	vst v63  }
0x24: {  	s23 =	sand.u32 $0x1FFFFFF0, s31;
	s24 =	sand.u32 $0x1FFFFFF0, s30;
	s30 =	spop (v2sf);
	(v2sf) =	vpush v17, $0xC  }
0x25: {  	s23 =	sadd.s32 s3, s23;
	s30 =	sand.u32 $0x1FFFFFF0, s30;
	s31 =	spop (v2sf)  }
0x26: {  	[tilespmem:s28], [sflag:$0x1] =	stream.linear.gather [hbm4b:s23+s2], $0x80, $0x38;
	(v2sf) =	vpush v17, $0xD;
	[tilespmem:$0x10200] =	vst v63  }
0x27: {  	s23 =	sadd.s32 s3, s30;
	s28 =	sand.u32 $0x1FFFFFF0, s31;
	s30 =	spop (v2sf)  }
0x28: {  	[tilespmem:s29], [sflag:$0x1] =	stream.linear.gather [hbm4b:s23+s2], $0x80, $0x38;
	(v2sf) =	vpush v17, $0xE;
	[tilespmem:$0x10200] =	vst v63  }
0x29: {  	s23 =	sadd.s32 s3, s24;
	s24 =	sand.u32 $0x1FFFFFF0, s30;
	s29 =	spop (v2sf)  }
0x2a: {  	[tilespmem:s25], [sflag:$0x1] =	stream.linear.gather [hbm4b:s23+s2], $0x80, $0x38;
	(v2sf) =	vpush v17, $0xF;
	[tilespmem:$0x10200] =	vst v63  }
0x2b: {  	s23 =	sadd.s32 s3, s28;
	s25 =	sand.u32 $0x1FFFFFF0, s29;
	s28 =	spop (v2sf)  }
0x2c: {  	[tilespmem:s22], [sflag:$0x1] =	stream.linear.gather [hbm4b:s23+s2], $0x80, $0x38;
	[tilespmem:$0x10200] =	vst v63  }
0x2d: {  	s22 =	sadd.s32 s3, s24;
	s23 =	sand.u32 $0x1FFFFFF0, s28;
	s24 =	spop (v2sf)  }
0x2e: {  	[tilespmem:s26], [sflag:$0x1] =	stream.linear.gather [hbm4b:s22+s2], $0x80, $0x38;
	[tilespmem:$0x10200] =	vst v63  }
0x2f: {  	s22 =	sadd.s32 s3, s25;
	s24 =	sand.u32 $0x1FFFFFF0, s24;
	s25 =	spop (v2sf)  }
0x30: {  	[tilespmem:s20], [sflag:$0x1] =	stream.linear.gather [hbm4b:s22+s2], $0x80, $0x38;
	[tilespmem:$0x10200] =	vst v63  }
0x31: {  	s20 =	sadd.s32 s3, s23;
	s22 =	sand.u32 $0x1FFFFFF0, s25;
	s23 =	spop (v2sf)  }
0x32: {  	[tilespmem:s19], [sflag:$0x1] =	stream.linear.gather [hbm4b:s20+s2], $0x80, $0x38;
	[tilespmem:$0x10200] =	vst v63  }
0x33: {  	s19 =	sadd.s32 s3, s24;
	s20 =	sand.u32 $0x1FFFFFF0, s23;
	s23 =	spop (v2sf)  }
0x34: {  	[tilespmem:s21], [sflag:$0x1] =	stream.linear.gather [hbm4b:s19+s2], $0x80, $0x38;
	[tilespmem:$0x10200] =	vst v63  }
0x35: {  	s19 =	sadd.s32 s3, s22;
	s21 =	sand.u32 $0x1FFFFFF0, s23;
	s22 =	spop (v2sf)  }
0x36: {  	[tilespmem:s18], [sflag:$0x1] =	stream.linear.gather [hbm4b:s19+s2], $0x80, $0x38;
	[tilespmem:$0x10200] =	vst v63  }
0x37: {  	s18 =	sadd.s32 s3, s20;
	s19 =	sand.u32 $0x1FFFFFF0, s22;
	s20 =	spop (v2sf)  }
0x38: {  	[tilespmem:s17], [sflag:$0x1] =	stream.linear.gather [hbm4b:s18+s2], $0x80, $0x38;
	[tilespmem:$0x10200] =	vst v63  }
0x39: {  	s17 =	sadd.s32 s3, s21;
	s18 =	sand.u32 $0x1FFFFFF0, s20;
	s20 =	spop (v2sf)  }
0x3a: {  	[tilespmem:s15], [sflag:$0x1] =	stream.linear.gather [hbm4b:s17+s2], $0x80, $0x38;
	[tilespmem:$0x10200] =	vst v63  }
0x3b: {  	s15 =	sadd.s32 s3, s19;
	s17 =	sand.u32 $0x1FFFFFF0, s20  }
0x3c: {  	[tilespmem:s16], [sflag:$0x1] =	stream.linear.gather [hbm4b:s15+s2], $0x80, $0x38;
	[tilespmem:$0x10200] =	vst v63  }
0x3d: {  	s15 =	sadd.s32 $0x900, s11;
	s16 =	sadd.s32 s3, s18  }
0x3e: {  	[tilespmem:s15], [sflag:$0x1] =	stream.linear.gather [hbm4b:s16+s2], $0x80, $0x38;
	[tilespmem:$0x10200] =	vst v63  }
0x3f: {  	s11 =	sadd.s32 $0x980, s11;
	s15 =	sadd.s32 s3, s17  }
0x40: {  	[tilespmem:s11], [sflag:$0x1] =	stream.linear.gather [hbm4b:s15+s2], $0x80, $0x38;
	[tilespmem:$0x10200] =	vst v63  }
0x41: {  	v17 =	vld [tilespmem:s13+$0x0];
	_ =	sdelay $0x4  }
0x42: {  	v17 =	vshll.u32 v17, $0x4  }
0x43: {  	(v2sf) =	vpush v17, $0x0  }
0x44: {  	(v2sf) =	vpush v17, $0x1  }
0x45: {  	(v2sf) =	vpush v17, $0x2;
	_ =	sdelay $0x1  }
0x46: {  	(v2sf) =	vpush v17, $0x4  }
.Ltmp0:
0x47: {  	(pc) =	sbr.rel @p0 .LBB2_2-.Ltmp0, $3  }
0x48: {  	(v2sf) =	vpush v17, $0x3  }
0x49: {  	(v2sf) =	vpush v17, $0x5;
	_ =	sdelay $0x1  }
0x4a: {  	s11 =	sshra.s32 s14, $0x2;
	(v2sf) =	vpush v17, $0x6  }
0x4b: {  	_ = 	snop  }
0x4c: {  	(v2sf) =	vpush v17, $0x7  }
0x4d: {  	s15 =	sadd.s32 $0x280, s11;
	s14 =	sadd.s32 $0x780, s11;
	s16 =	sadd.s32 $0x580, s11  }
0x4e: {  	s12 =	sadd.s32 $0x800, s11;
	s17 =	sadd.s32 $0x480, s11;
	s18 =	sadd.s32 $0x600, s11;
	(v2sf) =	vpush v17, $0x8  }
0x4f: {  	s13 =	sadd.s32 $0x880, s11;
	s19 =	sadd.s32 $0x200, s11;
	s20 =	sadd.s32 $0x400, s11  }
0x50: {  	s21 =	sadd.s32 $0x500, s11;
	s22 =	sadd.s32 $0x300, s11;
	s23 =	spop (v2sf);
	(v2sf) =	vpush v17, $0x9  }
0x51: {  	s24 =	sadd.s32 $0x700, s11;
	s23 =	sand.u32 $0x1FFFFFF0, s23;
	s25 =	spop (v2sf)  }
0x52: {  	s23 =	sadd.s32 s3, s23;
	s25 =	sand.u32 $0x1FFFFFF0, s25;
	s26 =	spop (v2sf)  }
0x53: {  	[tilespmem:s19], [sflag:$0x1] =	stream.linear.gather [hbm4b:s23+s2], $0x80, $0x38;
	[tilespmem:$0x10200] =	vst v63  }
0x54: {  	(v2sf) =	vpush v17, $0xA;
	s28 =	sadd.s32 s3, s25;
	s30 =	sand.u32 $0x1FFFFFF0, s26;
	s29 =	spop (v2sf)  }
0x55: {  	[tilespmem:s15], [sflag:$0x1] =	stream.linear.gather [hbm4b:s28+s2], $0x80, $0x38;
	[tilespmem:$0x10200] =	vst v63  }
0x56: {  	s19 =	sadd.s32 $0x680, s11;
	(v2sf) =	vpush v17, $0xB;
	s23 =	sadd.s32 s3, s30;
	s31 =	spop (v2sf)  }
0x57: {  	s15 =	sadd.s32 $0x380, s11;
	s26 =	sand.u32 $0x1FFFFFF0, s31;
	s28 =	spop (v2sf)  }
0x58: {  	(v2sf) =	vpush v17, $0xC;
	[tilespmem:s22], [sflag:$0x1] =	stream.linear.gather [hbm4b:s23+s2], $0x80, $0x38;
	[tilespmem:$0x10200] =	vst v63  }
0x59: {  	s25 =	sand.u32 $0x1FFFFFF0, s29;
	s26 =	sadd.s32 s3, s26;
	s29 =	spop (v2sf)  }
0x5a: {  	(v2sf) =	vpush v17, $0xD;
	[tilespmem:s15], [sflag:$0x1] =	stream.linear.gather [hbm4b:s26+s2], $0x80, $0x38;
	[tilespmem:$0x10200] =	vst v63  }
0x5b: {  	s22 =	sadd.s32 s3, s25;
	s30 =	sand.u32 $0x1FFFFFF0, s28;
	s31 =	spop (v2sf)  }
0x5c: {  	(v2sf) =	vpush v17, $0xE;
	[tilespmem:s20], [sflag:$0x1] =	stream.linear.gather [hbm4b:s22+s2], $0x80, $0x38;
	[tilespmem:$0x10200] =	vst v63  }
0x5d: {  	s15 =	sadd.s32 s3, s30;
	s26 =	sand.u32 $0x1FFFFFF0, s29;
	s28 =	spop (v2sf)  }
0x5e: {  	(v2sf) =	vpush v17, $0xF;
	[tilespmem:s17], [sflag:$0x1] =	stream.linear.gather [hbm4b:s15+s2], $0x80, $0x38;
	[tilespmem:$0x10200] =	vst v63  }
0x5f: {  	s29 =	sand.u32 $0x1FFFFFF0, s31;
	s30 =	sadd.s32 s3, s26;
	s31 =	spop (v2sf)  }
0x60: {  	[tilespmem:s21], [sflag:$0x1] =	stream.linear.gather [hbm4b:s30+s2], $0x80, $0x38;
	[tilespmem:$0x10200] =	vst v63  }
0x61: {  	s23 =	sand.u32 $0x1FFFFFF0, s28;
	s15 =	sadd.s32 s3, s29;
	s26 =	sand.u32 $0x1FFFFFF0, s31  }
0x62: {  	[tilespmem:s16], [sflag:$0x1] =	stream.linear.gather [hbm4b:s15+s2], $0x80, $0x38;
	[tilespmem:$0x10200] =	vst v63  }
0x63: {  	s28 =	sadd.s32 s3, s23;
	s25 =	spop (v2sf);
	s15 =	sadd.s32 s3, s26  }
0x64: {  	[tilespmem:s18], [sflag:$0x1] =	stream.linear.gather [hbm4b:s28+s2], $0x80, $0x38;
	[tilespmem:$0x10200] =	vst v63  }
0x65: {  	s26 =	simm.s32 $0x0;
	s30 =	sand.u32 $0x1FFFFFF0, s25;
	s29 =	spop (v2sf)  }
0x66: {  	[tilespmem:s19], [sflag:$0x1] =	stream.linear.gather [hbm4b:s15+s2], $0x80, $0x38;
	[tilespmem:$0x10200] =	vst v63  }
0x67: {  	s16 =	sadd.s32 s3, s30;
	s17 =	sand.u32 $0x1FFFFFF0, s29;
	s31 =	spop (v2sf)  }
0x68: {  	[tilespmem:s24], [sflag:$0x1] =	stream.linear.gather [hbm4b:s16+s2], $0x80, $0x38;
	[tilespmem:$0x10200] =	vst v63  }
0x69: {  	s15 =	sadd.s32 s3, s17;
	s19 =	spop (v2sf);
	s20 =	sand.u32 $0x1FFFFFF0, s31  }
0x6a: {  	[tilespmem:s14], [sflag:$0x1] =	stream.linear.gather [hbm4b:s15+s2], $0x80, $0x38;
	[tilespmem:$0x10200] =	vst v63  }
0x6b: {  	s22 =	sand.u32 $0x1FFFFFF0, s19;
	s23 =	sadd.s32 s3, s20;
	s21 =	spop (v2sf)  }
0x6c: {  	[tilespmem:s12], [sflag:$0x1] =	stream.linear.gather [hbm4b:s23+s2], $0x80, $0x38;
	[tilespmem:$0x10200] =	vst v63  }
0x6d: {  	s24 =	sand.u32 $0x1FFFFFF0, s21;
	s25 =	spop (v2sf);
	s14 =	sadd.s32 s3, s22  }
0x6e: {  	v17 =	vmov s26;
	[tilespmem:s13], [sflag:$0x1] =	stream.linear.gather [hbm4b:s14+s2], $0x80, $0x38;
	[tilespmem:$0x10200] =	vst v63  }
0x6f: {  	s28 =	sadd.s32 $0x900, s11;
	v17 =	vshll.u32 v17, $0x7;
	s29 =	sadd.s32 s3, s24;
	s12 =	sand.u32 $0x1FFFFFF0, s25  }
0x70: {  	v17 =	vor.u32 v1, v17;
	[tilespmem:s28], [sflag:$0x1] =	stream.linear.gather [hbm4b:s29+s2], $0x80, $0x38;
	[tilespmem:$0x10200] =	vst v63  }
0x71: {  	s30 =	sadd.s32 $0x980, s11;
	v18 =	vor.u32 v0, v17;
	s12 =	sadd.s32 s3, s12  }
0x72: {  	v19 =	vor.u32 v2, v17;
	[tilespmem:s30], [sflag:$0x1] =	stream.linear.gather [hbm4b:s12+s2], $0x80, $0x38;
	[tilespmem:$0x10200] =	vst v63  }
0x73: {  	_ =	swait.ge [sflag:s8], $0x10000  }
0x74: {  	v22 =	vor.u32 v3, v17;
	[sflag:s8] =	ssyncset.done $0x0  }
0x75: {  	[sflag:s8] =	ssyncadd.s32 $0xFFFF0000  }
0x76: {  	v23 =	vor.u32 v4, v17;
	v24 =	vld.idx.msk [tilespmem:v18+s9+$0x0], $0xffff  }
0x77: {  	v25 =	vld.idx.msk [tilespmem:v19+s9+$0x0], $0xffff  }
0x78: {  	v26 =	vor.u32 v5, v17  }
0x79: {  	v27 =	vld.idx.msk [tilespmem:v22+s9+$0x0], $0xffff  }
0x7a: {  	v28 =	vor.u32 v6, v17  }
0x7b: {  	v29 =	vld.idx.msk [tilespmem:v23+s9+$0x0], $0xffff  }
0x7c: {  	v30 =	vor.u32 v7, v17;
	v20 =	vmul.f32 v24, v24;
	v21 =	vmul.f32 v25, v25  }
0x7d: {  	v31 =	vld.idx.msk [tilespmem:v26+s9+$0x0], $0xffff  }
0x7e: {  	v32 =	vor.u32 v8, v17;
	v33 =	vmul.f32 v27, v27;
	v20 =	vadd.f32 v21, v20  }
0x7f: {  	v34 =	vld.idx.msk [tilespmem:v28+s9+$0x0], $0xffff  }
0x80: {  	v35 =	vor.u32 v9, v17;
	v21 =	vmul.f32 v29, v29;
	v20 =	vadd.f32 v33, v20  }
0x81: {  	v33 =	vld.idx.msk [tilespmem:v30+s9+$0x0], $0xffff  }
0x82: {  	v36 =	vor.u32 v10, v17;
	v37 =	vmul.f32 v31, v31;
	v20 =	vadd.f32 v21, v20  }
0x83: {  	v38 =	vld.idx.msk [tilespmem:v32+s9+$0x0], $0xffff  }
0x84: {  	v39 =	vor.u32 v11, v17;
	v21 =	vmul.f32 v34, v34;
	v20 =	vadd.f32 v37, v20  }
0x85: {  	v37 =	vld.idx.msk [tilespmem:v35+s9+$0x0], $0xffff  }
0x86: {  	v40 =	vor.u32 v12, v17;
	v41 =	vmul.f32 v33, v33;
	v20 =	vadd.f32 v21, v20  }
0x87: {  	v42 =	vld.idx.msk [tilespmem:v36+s9+$0x0], $0xffff  }
0x88: {  	v43 =	vor.u32 v13, v17;
	v21 =	vmul.f32 v38, v38;
	v20 =	vadd.f32 v41, v20  }
0x89: {  	v63 =	vld.idx.msk [tilespmem:v39+s9+$0x0], $0xffff  }
0x8a: {  	v44 =	vor.u32 v14, v17;
	v45 =	vmul.f32 v37, v37;
	v21 =	vadd.f32 v21, v20  }
0x8b: {  	v46 =	vld.idx.msk [tilespmem:v40+s9+$0x0], $0xffff  }
0x8c: {  	v47 =	vmul.f32 v42, v42;
	v20 =	vor.u32 v15, v17;
	v45 =	vadd.f32 v45, v21  }
0x8d: {  	v48 =	vld.idx.msk [tilespmem:v43+s9+$0x0], $0xffff  }
0x8e: {  	v21 =	vor.u32 v16, v17;
	v17 =	vmul.f32 v63, v63;
	v45 =	vadd.f32 v47, v45  }
0x8f: {  	v54 =	vld.idx.msk [tilespmem:v44+s9+$0x0], $0xffff  }
0x90: {  	v49 =	vmul.f32 v46, v46;
	v17 =	vadd.f32 v17, v45  }
0x91: {  	v55 =	vld.idx.msk [tilespmem:v20+s9+$0x0], $0xffff  }
0x92: {  	v50 =	vmul.f32 v48, v48;
	v17 =	vadd.f32 v49, v17  }
0x93: {  	v56 =	vld.idx.msk [tilespmem:v21+s9+$0x0], $0xffff  }
0x94: {  	v51 =	vmul.f32 v54, v54;
	v17 =	vadd.f32 v50, v17;
	_ =	sdelay $0x1  }
0x95: {  	v57 =	vmul.f32 v55, v55;
	v17 =	vadd.f32 v51, v17;
	_ =	sdelay $0x1  }
0x96: {  	v58 =	vmul.f32 v56, v56;
	v17 =	vadd.f32 v57, v17;
	_ =	sdelay $0x1  }
0x97: {  	v17 =	vadd.f32 v58, v17;
	_ =	sdelay $0x1  }
0x98: {  	v59 =	vshra.s32 v17, $0x1;
	v17 =	vmul.f32 $5.000000000e-01, v17  }
0x99: {  	v50 =	vsub.s32 $0x5F3759DF, v59  }
0x9a: {  	v60 =	vmul.f32 v50, v17;
	_ =	sdelay $0x1  }
0x9b: {  	v51 =	vmul.f32 v50, v60;
	_ =	sdelay $0x1  }
0x9c: {  	v51 =	vsub.f32 $1.500000000e+00, v51;
	_ =	sdelay $0x1  }
0x9d: {  	v50 =	vmul.f32 v50, v51;
	_ =	sdelay $0x1  }
0x9e: {  	v51 =	vmul.f32 v50, v17;
	_ =	sdelay $0x1  }
0x9f: {  	v51 =	vmul.f32 v51, v50;
	_ =	sdelay $0x1  }
0xa0: {  	v51 =	vsub.f32 $1.500000000e+00, v51;
	_ =	sdelay $0x1  }
0xa1: {  	v50 =	vmul.f32 v51, v50;
	_ =	sdelay $0x1  }
0xa2: {  	v17 =	vmul.f32 v50, v17;
	_ =	sdelay $0x1  }
0xa3: {  	v17 =	vmul.f32 v17, v50;
	_ =	sdelay $0x1  }
0xa4: {  	v17 =	vsub.f32 $1.500000000e+00, v17;
	_ =	sdelay $0x1  }
0xa5: {  	v50 =	vmul.f32 v17, v50;
	_ =	sdelay $0x1  }
0xa6: {  	v17 =	vmul.f32 v50, v24  }
0xa7: {  	v61 =	vmul.f32 v50, v25  }
0xa8: {  	v62 =	vmul.f32 v50, v27;
	[tilespmem:v18+s9+$0x0] =	vst.idx.msk $0xffff, v17  }
0xa9: {  	v17 =	vmul.f32 v50, v29;
	[tilespmem:v19+s9+$0x0] =	vst.idx.msk $0xffff, v61  }
0xaa: {  	v18 =	vmul.f32 v50, v31;
	[tilespmem:v22+s9+$0x0] =	vst.idx.msk $0xffff, v62  }
0xab: {  	v19 =	vmul.f32 v50, v34;
	[tilespmem:v23+s9+$0x0] =	vst.idx.msk $0xffff, v17  }
0xac: {  	v17 =	vmul.f32 v50, v33;
	[tilespmem:v26+s9+$0x0] =	vst.idx.msk $0xffff, v18  }
0xad: {  	v18 =	vmul.f32 v50, v38;
	[tilespmem:v28+s9+$0x0] =	vst.idx.msk $0xffff, v19  }
0xae: {  	v19 =	vmul.f32 v50, v37;
	[tilespmem:v30+s9+$0x0] =	vst.idx.msk $0xffff, v17  }
0xaf: {  	s31 =	simm.s32 $0x4;
	v17 =	vmul.f32 v50, v42;
	[tilespmem:v32+s9+$0x0] =	vst.idx.msk $0xffff, v18  }
0xb0: {  	v18 =	vmul.f32 v50, v63;
	[tilespmem:v35+s9+$0x0] =	vst.idx.msk $0xffff, v19;
	v19 =	vmov s31  }
0xb1: {  	v23 =	vmul.f32 v50, v46;
	[tilespmem:v36+s9+$0x0] =	vst.idx.msk $0xffff, v17;
	v17 =	vshll.u32 v19, $0x7  }
0xb2: {  	v19 =	vmul.f32 v50, v48;
	[tilespmem:v39+s9+$0x0] =	vst.idx.msk $0xffff, v18;
	v28 =	vor.u32 v1, v17  }
0xb3: {  	v63 =	vmul.f32 v50, v54;
	[tilespmem:v40+s9+$0x0] =	vst.idx.msk $0xffff, v23;
	v18 =	vor.u32 v0, v28  }
0xb4: {  	v22 =	vmul.f32 v50, v55;
	v17 =	vor.u32 v2, v28;
	[tilespmem:v43+s9+$0x0] =	vst.idx.msk $0xffff, v19  }
0xb5: {  	s11 =	simm.s32 $0x8;
	v23 =	vmul.f32 v50, v56;
	v19 =	vor.u32 v3, v28;
	[tilespmem:v44+s9+$0x0] =	vst.idx.msk $0xffff, v63  }
.LBB2_4:
0xb6: {  	p0 =	sne.s32 s11, $0x1FC;
	[tilespmem:v20+s9+$0x0] =	vst.idx.msk $0xffff, v22;
	s12 =	smov.u32 s11;
	s11 =	sadd.s32 $0x4, s11  }
0xb7: {  	v22 =	vor.u32 v4, v28;
	[tilespmem:v21+s9+$0x0] =	vst.idx.msk $0xffff, v23  }
0xb8: {  	v32 =	vld.idx.msk [tilespmem:v18+s9+$0x0], $0xffff  }
0xb9: {  	v23 =	vor.u32 v5, v28;
	v33 =	vld.idx.msk [tilespmem:v17+s9+$0x0], $0xffff  }
0xba: {  	v35 =	vld.idx.msk [tilespmem:v19+s9+$0x0], $0xffff  }
0xbb: {  	v24 =	vor.u32 v6, v28  }
0xbc: {  	v36 =	vld.idx.msk [tilespmem:v22+s9+$0x0], $0xffff  }
0xbd: {  	v25 =	vor.u32 v7, v28  }
0xbe: {  	v20 =	vmul.f32 v32, v32;
	v38 =	vld.idx.msk [tilespmem:v23+s9+$0x0], $0xffff  }
0xbf: {  	v26 =	vor.u32 v8, v28;
	v21 =	vmul.f32 v33, v33  }
0xc0: {  	v29 =	vmul.f32 v35, v35;
	v39 =	vld.idx.msk [tilespmem:v24+s9+$0x0], $0xffff  }
0xc1: {  	v27 =	vor.u32 v9, v28;
	v20 =	vadd.f32 v21, v20  }
0xc2: {  	v21 =	vmul.f32 v36, v36;
	v40 =	vld.idx.msk [tilespmem:v25+s9+$0x0], $0xffff  }
0xc3: {  	v20 =	vadd.f32 v29, v20;
	v29 =	vor.u32 v10, v28  }
0xc4: {  	v31 =	vmul.f32 v38, v38;
	v41 =	vld.idx.msk [tilespmem:v26+s9+$0x0], $0xffff  }
0xc5: {  	v30 =	vor.u32 v11, v28;
	v20 =	vadd.f32 v21, v20  }
0xc6: {  	v21 =	vmul.f32 v39, v39;
	v42 =	vld.idx.msk [tilespmem:v27+s9+$0x0], $0xffff  }
0xc7: {  	v20 =	vadd.f32 v31, v20;
	v31 =	vor.u32 v12, v28  }
0xc8: {  	v37 =	vmul.f32 v40, v40;
	v43 =	vld.idx.msk [tilespmem:v29+s9+$0x0], $0xffff  }
0xc9: {  	v34 =	vor.u32 v13, v28;
	v20 =	vadd.f32 v21, v20  }
0xca: {  	v21 =	vmul.f32 v41, v41;
	v44 =	vld.idx.msk [tilespmem:v30+s9+$0x0], $0xffff  }
0xcb: {  	v20 =	vadd.f32 v37, v20;
	v37 =	vor.u32 v14, v28  }
0xcc: {  	v45 =	vmul.f32 v42, v42;
	v46 =	vld.idx.msk [tilespmem:v31+s9+$0x0], $0xffff  }
0xcd: {  	v21 =	vadd.f32 v21, v20;
	v20 =	vor.u32 v15, v28  }
0xce: {  	v47 =	vmul.f32 v43, v43;
	v48 =	vld.idx.msk [tilespmem:v34+s9+$0x0], $0xffff  }
0xcf: {  	v45 =	vadd.f32 v45, v21;
	v21 =	vor.u32 v16, v28  }
0xd0: {  	v28 =	vmul.f32 v44, v44;
	v49 =	vld.idx.msk [tilespmem:v37+s9+$0x0], $0xffff  }
0xd1: {  	v45 =	vadd.f32 v47, v45  }
0xd2: {  	v47 =	vmul.f32 v46, v46;
	v50 =	vld.idx.msk [tilespmem:v20+s9+$0x0], $0xffff  }
0xd3: {  	v28 =	vadd.f32 v28, v45  }
0xd4: {  	v45 =	vmul.f32 v48, v48;
	v51 =	vld.idx.msk [tilespmem:v21+s9+$0x0], $0xffff  }
0xd5: {  	v28 =	vadd.f32 v47, v28  }
0xd6: {  	v47 =	vmul.f32 v49, v49  }
0xd7: {  	v28 =	vadd.f32 v45, v28  }
0xd8: {  	v45 =	vmul.f32 v50, v50  }
0xd9: {  	v28 =	vadd.f32 v47, v28  }
0xda: {  	v47 =	vmul.f32 v51, v51  }
0xdb: {  	v28 =	vadd.f32 v45, v28;
	_ =	sdelay $0x1  }
0xdc: {  	v28 =	vadd.f32 v47, v28;
	_ =	sdelay $0x1  }
0xdd: {  	v45 =	vshra.s32 v28, $0x1;
	v28 =	vmul.f32 $5.000000000e-01, v28  }
0xde: {  	v45 =	vsub.s32 $0x5F3759DF, v45  }
0xdf: {  	v47 =	vmul.f32 v45, v28;
	_ =	sdelay $0x1  }
0xe0: {  	v47 =	vmul.f32 v45, v47;
	_ =	sdelay $0x1  }
0xe1: {  	v47 =	vsub.f32 $1.500000000e+00, v47;
	_ =	sdelay $0x1  }
0xe2: {  	v45 =	vmul.f32 v45, v47;
	_ =	sdelay $0x1  }
0xe3: {  	v47 =	vmul.f32 v45, v28;
	_ =	sdelay $0x1  }
0xe4: {  	v47 =	vmul.f32 v47, v45;
	_ =	sdelay $0x1  }
0xe5: {  	v47 =	vsub.f32 $1.500000000e+00, v47;
	_ =	sdelay $0x1  }
0xe6: {  	v45 =	vmul.f32 v47, v45;
	_ =	sdelay $0x1  }
0xe7: {  	v28 =	vmul.f32 v45, v28;
	_ =	sdelay $0x1  }
0xe8: {  	v28 =	vmul.f32 v28, v45;
	_ =	sdelay $0x1  }
0xe9: {  	v28 =	vsub.f32 $1.500000000e+00, v28;
	_ =	sdelay $0x1  }
0xea: {  	v45 =	vmul.f32 v28, v45;
	_ =	sdelay $0x1  }
0xeb: {  	v28 =	vmul.f32 v45, v32;
	v32 =	vmul.f32 v45, v33  }
0xec: {  	v33 =	vmul.f32 v45, v35  }
0xed: {  	[tilespmem:v18+s9+$0x0] =	vst.idx.msk $0xffff, v28;
	v18 =	vmul.f32 v45, v36  }
0xee: {  	[tilespmem:v17+s9+$0x0] =	vst.idx.msk $0xffff, v32;
	v17 =	vmul.f32 v45, v38  }
0xef: {  	[tilespmem:v19+s9+$0x0] =	vst.idx.msk $0xffff, v33;
	v19 =	vmul.f32 v45, v39  }
0xf0: {  	[tilespmem:v22+s9+$0x0] =	vst.idx.msk $0xffff, v18;
	v18 =	vmul.f32 v45, v40  }
0xf1: {  	[tilespmem:v23+s9+$0x0] =	vst.idx.msk $0xffff, v17;
	v17 =	vmul.f32 v45, v41  }
0xf2: {  	[tilespmem:v24+s9+$0x0] =	vst.idx.msk $0xffff, v19;
	v19 =	vmul.f32 v45, v42  }
0xf3: {  	[tilespmem:v25+s9+$0x0] =	vst.idx.msk $0xffff, v18;
	v18 =	vmul.f32 v45, v43  }
0xf4: {  	[tilespmem:v26+s9+$0x0] =	vst.idx.msk $0xffff, v17;
	v17 =	vmul.f32 v45, v44  }
0xf5: {  	v22 =	vmov s12;
	[tilespmem:v27+s9+$0x0] =	vst.idx.msk $0xffff, v19;
	v19 =	vmul.f32 v45, v46  }
.Ltmp1:
0xf6: {  	v23 =	vshll.u32 v22, $0x7;
	v22 =	vmul.f32 v45, v50;
	v24 =	vmul.f32 v45, v48;
	[tilespmem:v29+s9+$0x0] =	vst.idx.msk $0xffff, v18;
	(pc) =	sbr.rel @p0 .LBB2_4-.Ltmp1, $4  }
0xf7: {  	v28 =	vor.u32 v1, v23;
	v25 =	vmul.f32 v45, v49;
	[tilespmem:v30+s9+$0x0] =	vst.idx.msk $0xffff, v17  }
0xf8: {  	v18 =	vor.u32 v0, v28;
	v17 =	vor.u32 v2, v28;
	[tilespmem:v31+s9+$0x0] =	vst.idx.msk $0xffff, v19  }
0xf9: {  	v23 =	vmul.f32 v45, v51;
	[tilespmem:v34+s9+$0x0] =	vst.idx.msk $0xffff, v24  }
0xfa: {  	v19 =	vor.u32 v3, v28;
	[tilespmem:v37+s9+$0x0] =	vst.idx.msk $0xffff, v25  }
0xfb: {  	_ =	sdelay $0x3  }
0xfc: {  	[tilespmem:v20+s9+$0x0] =	vst.idx.msk $0xffff, v22  }
0xfd: {  	[tilespmem:v21+s9+$0x0] =	vst.idx.msk $0xffff, v23  }
0xfe: {  	v20 =	vor.u32 v4, v28;
	v21 =	vld.idx.msk [tilespmem:v18+s9+$0x0], $0xffff  }
0xff: {  	v22 =	vld.idx.msk [tilespmem:v17+s9+$0x0], $0xffff  }
0x100: {  	v23 =	vor.u32 v5, v28  }
0x101: {  	v24 =	vld.idx.msk [tilespmem:v19+s9+$0x0], $0xffff  }
0x102: {  	v25 =	vor.u32 v6, v28  }
0x103: {  	v26 =	vld.idx.msk [tilespmem:v20+s9+$0x0], $0xffff  }
0x104: {  	v27 =	vor.u32 v7, v28;
	v29 =	vmul.f32 v21, v21;
	v30 =	vmul.f32 v22, v22  }
0x105: {  	v31 =	vld.idx.msk [tilespmem:v23+s9+$0x0], $0xffff  }
0x106: {  	v32 =	vor.u32 v8, v28;
	v33 =	vmul.f32 v24, v24;
	v29 =	vadd.f32 v30, v29  }
0x107: {  	v30 =	vld.idx.msk [tilespmem:v25+s9+$0x0], $0xffff  }
0x108: {  	v34 =	vor.u32 v9, v28;
	v35 =	vmul.f32 v26, v26;
	v29 =	vadd.f32 v33, v29  }
0x109: {  	v33 =	vld.idx.msk [tilespmem:v27+s9+$0x0], $0xffff  }
0x10a: {  	v36 =	vor.u32 v10, v28;
	v37 =	vmul.f32 v31, v31;
	v29 =	vadd.f32 v35, v29  }
0x10b: {  	v35 =	vld.idx.msk [tilespmem:v32+s9+$0x0], $0xffff  }
0x10c: {  	v38 =	vor.u32 v11, v28;
	v39 =	vmul.f32 v30, v30;
	v29 =	vadd.f32 v37, v29  }
0x10d: {  	v37 =	vld.idx.msk [tilespmem:v34+s9+$0x0], $0xffff  }
0x10e: {  	v40 =	vor.u32 v12, v28;
	v41 =	vmul.f32 v33, v33;
	v29 =	vadd.f32 v39, v29  }
0x10f: {  	v39 =	vld.idx.msk [tilespmem:v36+s9+$0x0], $0xffff  }
0x110: {  	v42 =	vor.u32 v13, v28;
	v43 =	vmul.f32 v35, v35;
	v29 =	vadd.f32 v41, v29  }
0x111: {  	v41 =	vld.idx.msk [tilespmem:v38+s9+$0x0], $0xffff  }
0x112: {  	v44 =	vor.u32 v14, v28;
	v45 =	vmul.f32 v37, v37;
	v29 =	vadd.f32 v43, v29  }
0x113: {  	v54 =	vld.idx.msk [tilespmem:v40+s9+$0x0], $0xffff  }
0x114: {  	v46 =	vor.u32 v15, v28;
	v47 =	vmul.f32 v39, v39;
	v29 =	vadd.f32 v45, v29  }
0x115: {  	v55 =	vld.idx.msk [tilespmem:v42+s9+$0x0], $0xffff  }
0x116: {  	v56 =	vor.u32 v16, v28;
	v48 =	vmul.f32 v41, v41;
	v29 =	vadd.f32 v47, v29  }
0x117: {  	v57 =	vld.idx.msk [tilespmem:v44+s9+$0x0], $0xffff  }
0x118: {  	v49 =	vmul.f32 v54, v54;
	v29 =	vadd.f32 v48, v29  }
0x119: {  	v58 =	vld.idx.msk [tilespmem:v46+s9+$0x0], $0xffff  }
0x11a: {  	v50 =	vmul.f32 v55, v55;
	v29 =	vadd.f32 v49, v29  }
0x11b: {  	v59 =	vld.idx.msk [tilespmem:v56+s9+$0x0], $0xffff  }
0x11c: {  	v51 =	vmul.f32 v57, v57;
	v29 =	vadd.f32 v50, v29;
	_ =	sdelay $0x1  }
0x11d: {  	v60 =	vmul.f32 v58, v58;
	v29 =	vadd.f32 v51, v29;
	_ =	sdelay $0x1  }
0x11e: {  	v61 =	vmul.f32 v59, v59;
	v29 =	vadd.f32 v60, v29;
	_ =	sdelay $0x1  }
0x11f: {  	v29 =	vadd.f32 v61, v29;
	_ =	sdelay $0x1  }
0x120: {  	v62 =	vshra.s32 v29, $0x1;
	v29 =	vmul.f32 $5.000000000e-01, v29  }
0x121: {  	v50 =	vsub.s32 $0x5F3759DF, v62  }
0x122: {  	v63 =	vmul.f32 v50, v29;
	_ =	sdelay $0x1  }
0x123: {  	v51 =	vmul.f32 v50, v63;
	_ =	sdelay $0x1  }
0x124: {  	v51 =	vsub.f32 $1.500000000e+00, v51;
	_ =	sdelay $0x1  }
0x125: {  	v50 =	vmul.f32 v50, v51;
	_ =	sdelay $0x1  }
0x126: {  	v51 =	vmul.f32 v50, v29;
	_ =	sdelay $0x1  }
0x127: {  	v51 =	vmul.f32 v51, v50;
	_ =	sdelay $0x1  }
0x128: {  	v51 =	vsub.f32 $1.500000000e+00, v51;
	_ =	sdelay $0x1  }
0x129: {  	v50 =	vmul.f32 v51, v50;
	_ =	sdelay $0x1  }
0x12a: {  	v29 =	vmul.f32 v50, v29;
	_ =	sdelay $0x1  }
0x12b: {  	v29 =	vmul.f32 v29, v50;
	_ =	sdelay $0x1  }
0x12c: {  	v29 =	vsub.f32 $1.500000000e+00, v29;
	_ =	sdelay $0x1  }
0x12d: {  	v29 =	vmul.f32 v29, v50;
	_ =	sdelay $0x1  }
0x12e: {  	v21 =	vmul.f32 v29, v21  }
0x12f: {  	v22 =	vmul.f32 v29, v22  }
0x130: {  	v24 =	vmul.f32 v29, v24;
	[tilespmem:v18+s9+$0x0] =	vst.idx.msk $0xffff, v21  }
0x131: {  	v18 =	vmul.f32 v29, v26;
	[tilespmem:v17+s9+$0x0] =	vst.idx.msk $0xffff, v22  }
0x132: {  	v17 =	vmul.f32 v29, v31;
	[tilespmem:v19+s9+$0x0] =	vst.idx.msk $0xffff, v24  }
0x133: {  	v19 =	vmul.f32 v29, v30;
	[tilespmem:v20+s9+$0x0] =	vst.idx.msk $0xffff, v18  }
0x134: {  	v18 =	vmul.f32 v29, v33;
	[tilespmem:v23+s9+$0x0] =	vst.idx.msk $0xffff, v17  }
0x135: {  	v17 =	vmul.f32 v29, v35;
	[tilespmem:v25+s9+$0x0] =	vst.idx.msk $0xffff, v19  }
0x136: {  	v19 =	vmul.f32 v29, v37;
	[tilespmem:v27+s9+$0x0] =	vst.idx.msk $0xffff, v18  }
0x137: {  	v18 =	vmul.f32 v29, v39;
	[tilespmem:v32+s9+$0x0] =	vst.idx.msk $0xffff, v17  }
0x138: {  	v17 =	vmul.f32 v29, v41;
	[tilespmem:v34+s9+$0x0] =	vst.idx.msk $0xffff, v19  }
0x139: {  	v19 =	vmul.f32 v29, v54;
	[tilespmem:v36+s9+$0x0] =	vst.idx.msk $0xffff, v18  }
0x13a: {  	v18 =	vmul.f32 v29, v55;
	[tilespmem:v38+s9+$0x0] =	vst.idx.msk $0xffff, v17  }
0x13b: {  	v17 =	vmul.f32 v29, v57;
	[tilespmem:v40+s9+$0x0] =	vst.idx.msk $0xffff, v19  }
0x13c: {  	v19 =	vmul.f32 v29, v58;
	[tilespmem:v42+s9+$0x0] =	vst.idx.msk $0xffff, v18  }
0x13d: {  	s10 =	sadd.s32 $0x1, s10;
	v18 =	vmul.f32 v29, v59;
	[tilespmem:v44+s9+$0x0] =	vst.idx.msk $0xffff, v17  }
0x13e: {  	p0 =	sne.s32 s10, s6;
	[tilespmem:v46+s9+$0x0] =	vst.idx.msk $0xffff, v19  }
.Ltmp2:
0x13f: {  	[tilespmem:v56+s9+$0x0] =	vst.idx.msk $0xffff, v18;
	(pc) =	sbr.rel @p0 .LBB2_1-.Ltmp2, $4  }
0x140: {  	[hbm4b:s5+s2] =	stream.linear.scatter [tilespmem:s9], [sflag:$0x2], $0x10000, $0x38;
	[tilespmem:$0x10200] =	vst v63  }
0x141: {  	_ =	swait.ge [sflag:s7], $0x10000  }
0x142: {  	[sflag:s7] =	ssyncset.done $0x0  }
0x143: {  	[sflag:s7] =	ssyncadd.s32 $0xFFFF0000  }
0x144: {  	_ =	sfence.sel $0x180000  }
0x145: {  	[bflag:$0x0] =	sbarrier.arrive $0xFFFF  }
0x146: {  	p0 =	sne.s32 s1, $0x0;
	_ =	strace $0x90000047  }
0x147: {  	s0 =	sadd.s32 @!p0 $0x100000, s0;
	[bflag:$0x2] =	sbarrier.arrive $0xFFFF  }
0x148: {  	[sflag:s0] =	ssyncadd.tile.s32 @!p0 $0x1;
	_ =	shalt  }
.Lfunc_end2:
_tile_overlayer_lowered:
.L_overlay_start_2:
0x149: {  	(tag) =	ssettag $0x2  }
0x14a: {  	s0 =	rddreg [dreg:$0x0];
	s2 =	stileid.u32  }
0x14b: {  	s1 =	rddreg [dreg:$0x1];
	p0 =	sne.s32 s2, $0x0  }
0x14c: {  	s3 =	rddreg [dreg:$0x2];
	[bflag:$0x3] =	sbarrier.arrive $0xFFFF;
	s2 =	simm.s32 @!p0 $0x1C02  }
0x14d: {  	[timem:s3], [sflag:s2] =	dma.local @!p0 [hbm:s0], s1  }
0x14e: {  	s0 =	simm.s32 @!p0 $0x2  }
0x14f: {  	_ =	swait.ge @!p0 [sflag:s0], s1  }
0x150: {  	s1 =	ssub.s32 @!p0 $0x0, s1;
	[sflag:s0] =	ssyncset.done @!p0 $0x0  }
0x151: {  	[sflag:s0] =	ssyncadd.s32 @!p0 s1  }
0x152: {  	[bflag:$0x3] =	sbarrier.arrive $0xFFFF  }
0x153: {  	_ =	shalt  }

</sc_bundles>
